<compile_context>
chip_gen: v7x
topology: tpu7x:2x2x1
jax: 0.10.2.dev20260603
libtpu: 0.0.44.dev20260713+nightly
codegen_flags: <defaults>
</compile_context>

<pallas_src>
import functools

import jax
import jax.numpy as jnp
from jax import lax
from jax.experimental import pallas as pl
from jax.experimental.pallas import tpu as pltpu
from jax.experimental.pallas import tpu_sc as plsc

D_MODEL = 64
N_IDX = 16384 * 50

_info = plsc.get_sparse_core_info()
NC = _info.num_cores
NS = _info.num_subcores
NW = NC * NS
PER_W = N_IDX // NW
CHUNK = 400
N_CHUNKS = PER_W // CHUNK
NBUF = 2
N_OUTER = N_CHUNKS // NBUF

_mesh = plsc.VectorSubcoreMesh(core_axis_name="c", subcore_axis_name="s")


@functools.partial(
    pl.kernel,
    mesh=_mesh,
    out_type=jax.ShapeDtypeStruct((N_IDX, D_MODEL), jnp.float32),
    scratch_types=(
        [pltpu.VMEM((PER_W,), jnp.int32),
         pltpu.VMEM_SHARED((NS, NBUF, CHUNK, D_MODEL), jnp.float32)]
        + [pltpu.VMEM((CHUNK, D_MODEL), jnp.float32) for _ in range(NBUF)]
        + [pltpu.SemaphoreType.DMA for _ in range(3 * NBUF + 1)]
    ),
    compiler_params=pltpu.CompilerParams(use_tc_tiling_on_sc=False),
)
def _embed_gather(x_hbm, table_hbm, out_hbm, idx_v, shared, *bufs):
    rows = bufs[:NBUF]
    gsem = bufs[NBUF:2 * NBUF]
    csem = bufs[2 * NBUF:3 * NBUF]
    ssem = bufs[3 * NBUF:4 * NBUF]
    isem = bufs[4 * NBUF]
    sid = lax.axis_index("s")
    wid = sid * NC + lax.axis_index("c")
    base = wid * PER_W

    head = NBUF * CHUNK
    pltpu.sync_copy(x_hbm.at[pl.ds(base, head)], idx_v.at[pl.ds(0, head)])
    pltpu.async_copy(x_hbm.at[pl.ds(base + head, PER_W - head)],
                     idx_v.at[pl.ds(head, PER_W - head)], isem)

    def idx_at(g):
        return idx_v.at[pl.ds(g * CHUNK, CHUNK)]

    def out_at(g):
        return out_hbm.at[pl.ds(base + g * CHUNK, CHUNK)]

    def shr(b):
        return shared.at[sid, b]

    def stage(g, b, wait_out, next_gather):
        pltpu.make_async_copy(table_hbm.at[idx_at(g)], rows[b],
                              gsem[b]).wait()
        if wait_out:
            pltpu.make_async_copy(shr(b), out_at(g - NBUF), ssem[b]).wait()
        pltpu.async_copy(rows[b], shr(b), csem[b])
        pltpu.make_async_copy(rows[b], shr(b), csem[b]).wait()
        pltpu.async_copy(shr(b), out_at(g), ssem[b])
        if next_gather:
            pltpu.async_copy(table_hbm.at[idx_at(g + NBUF)], rows[b],
                             gsem[b])

    for b in range(NBUF):
        pltpu.async_copy(table_hbm.at[idx_at(b)], rows[b], gsem[b])
    pltpu.make_async_copy(x_hbm.at[pl.ds(base + head, PER_W - head)],
                          idx_v.at[pl.ds(head, PER_W - head)], isem).wait()

    for b in range(NBUF):
        stage(b, b, wait_out=False, next_gather=True)

    def outer(i, carry):
        for b in range(NBUF):
            stage(i * NBUF + b, b, wait_out=True, next_gather=True)
        return carry

    lax.fori_loop(1, N_OUTER - 1, outer, 0)

    g_last = (N_OUTER - 1) * NBUF
    for b in range(NBUF):
        stage(g_last + b, b, wait_out=True, next_gather=False)
    for b in range(NBUF):
        pltpu.make_async_copy(shr(b), out_at(g_last + b), ssem[b]).wait()


def kernel(x, table):
    x_flat = x.reshape(-1).astype(jnp.int32)
    out = _embed_gather(x_flat, table)
    return out.reshape(x.shape + (table.shape[1],))

# --- scband reference (transcript-rebuilt; emitter-appended) ---
"""Pipeline reference for scband-embedding-layer-257698037881 (READ-ONLY COPY).

The authoritative reference and input builder live on the scoring server;
editing this copy changes nothing except your own understanding.
"""

import jax, jax.numpy as jnp
import numpy as np

VOCAB = 1000000
D_MODEL = 64

def setup_inputs(seed: int = 0) -> dict:
    key = jax.random.key(seed)
    k1, k2 = jax.random.split(key)
    x = jax.random.randint(k1, (16384, 50), 0, VOCAB, dtype=jnp.int64 if jax.config.jax_enable_x64 else jnp.int32)
    table = jax.random.normal(k2, (VOCAB, D_MODEL), dtype=jnp.float32)
    return {"x": x, "table": table}

def reference(x, table):
    # nn.Embedding forward: gather rows of the embedding table
    return jnp.take(table, x, axis=0)

if __name__ == "__main__":
    import jax
    _d = setup_inputs()
    print(jax.jit(kernel)(*tuple(_d.values())))

</pallas_src>

<mosaic_0001>
#map = affine_map<(d0, d1) -> (0)>
#map1 = affine_map<(d0, d1) -> (0, 0)>
module attributes {stable_mosaic.version = 14 : i64} {
  func.func @_embed_gather(%arg0: i32, %arg1: i32, %arg2: memref<819200xi32, #tpu.memory_space<hbm>>, %arg3: memref<1000000x64xf32, #tpu.memory_space<hbm>>, %arg4: memref<819200x64xf32, #tpu.memory_space<hbm>>, %arg5: memref<25600xi32, #tpu.memory_space<vmem>>, %arg6: memref<16x2x400x64xf32, #tpu.memory_space<vmem_shared>>, %arg7: memref<400x64xf32, #tpu.memory_space<vmem>>, %arg8: memref<400x64xf32, #tpu.memory_space<vmem>>, %arg9: memref<!tpu.dma_semaphore, #tpu.memory_space<semaphore_mem>>, %arg10: memref<!tpu.dma_semaphore, #tpu.memory_space<semaphore_mem>>, %arg11: memref<!tpu.dma_semaphore, #tpu.memory_space<semaphore_mem>>, %arg12: memref<!tpu.dma_semaphore, #tpu.memory_space<semaphore_mem>>, %arg13: memref<!tpu.dma_semaphore, #tpu.memory_space<semaphore_mem>>, %arg14: memref<!tpu.dma_semaphore, #tpu.memory_space<semaphore_mem>>, %arg15: memref<!tpu.dma_semaphore, #tpu.memory_space<semaphore_mem>>) attributes {dimension_semantics = [#tpu.dimension_semantics<core_parallel>, #tpu.dimension_semantics<subcore_parallel>], iteration_bounds = array<i64: 2, 16>, scalar_prefetch = 0 : i64, scratch_operands = 11 : i64, tpu.core_type = #tpu.core_type<sc_vector_subcore>, window_params = [{transform_indices = #map}, {transform_indices = #map1}, {transform_indices = #map1}]} {
    %mul3A = arith.constant 2 : i32
    %mul3A_0 = arith.muli %arg1, %mul3A : i32
    %add3A = arith.addi %mul3A_0, %arg0 : i32
    %mul3A_1 = arith.constant 25600 : i32
    %mul3A_2 = arith.muli %add3A, %mul3A_1 : i32
    "tpu.region"() ({
      %run_scoped3A = tpu.sem_alloc : memref<!tpu.dma_semaphore, #tpu.memory_space<semaphore_mem>>
      %dma_start3A_206 = arith.constant 0 : i32
      %dma_start3A_207 = tpu.memref_slice %arg5[%dma_start3A_206] : memref<25600xi32, #tpu.memory_space<vmem>> -> memref<800xi32, #tpu.memory_space<vmem>>
      %dma_start3A_208 = tpu.memref_slice %arg2[%mul3A_2] : memref<819200xi32, #tpu.memory_space<hbm>> -> memref<800xi32, #tpu.memory_space<hbm>>
      %dma_start3A_209 = arith.constant 0 : i32
      %dma_start3A_210 = tpu.memref_slice %arg5[%dma_start3A_209] : memref<25600xi32, #tpu.memory_space<vmem>> -> memref<800xi32, #tpu.memory_space<vmem>>
      %dma_start3A_211 = tpu.memref_slice %arg2[%mul3A_2] : memref<819200xi32, #tpu.memory_space<hbm>> -> memref<800xi32, #tpu.memory_space<hbm>>
      tpu.enqueue_dma source(%dma_start3A_211 : memref<800xi32, #tpu.memory_space<hbm>>) target(%dma_start3A_210 : memref<800xi32, #tpu.memory_space<vmem>>) target_semaphore(%run_scoped3A : memref<!tpu.dma_semaphore, #tpu.memory_space<semaphore_mem>>)
      %dma_wait3A_212 = arith.constant 0 : i32
      %dma_wait3A_213 = tpu.memref_slice %arg5[%dma_wait3A_212] : memref<25600xi32, #tpu.memory_space<vmem>> -> memref<800xi32, #tpu.memory_space<vmem>>
      %dma_wait3A_214 = tpu.memref_slice %arg2[%mul3A_2] : memref<819200xi32, #tpu.memory_space<hbm>> -> memref<800xi32, #tpu.memory_space<hbm>>
      %dma_wait3A_215 = arith.constant 0 : i32
      %dma_wait3A_216 = tpu.memref_slice %arg5[%dma_wait3A_215] : memref<25600xi32, #tpu.memory_space<vmem>> -> memref<800xi32, #tpu.memory_space<vmem>>
      %dma_wait3A_217 = tpu.memref_slice %arg2[%mul3A_2] : memref<819200xi32, #tpu.memory_space<hbm>> -> memref<800xi32, #tpu.memory_space<hbm>>
      tpu.wait_dma2 semaphore(%run_scoped3A : memref<!tpu.dma_semaphore, #tpu.memory_space<semaphore_mem>>) src(%dma_wait3A_217 : memref<800xi32, #tpu.memory_space<hbm>>) dst(%dma_wait3A_216 : memref<800xi32, #tpu.memory_space<vmem>>)
      tpu.yield
    }) : () -> ()
    %add3A_3 = arith.constant 800 : i32
    %add3A_4 = arith.addi %mul3A_2, %add3A_3 : i32
    %dma_start3A = arith.constant 800 : i32
    %dma_start3A_5 = tpu.memref_slice %arg5[%dma_start3A] : memref<25600xi32, #tpu.memory_space<vmem>> -> memref<24800xi32, #tpu.memory_space<vmem>>
    %dma_start3A_6 = tpu.memref_slice %arg2[%add3A_4] : memref<819200xi32, #tpu.memory_space<hbm>> -> memref<24800xi32, #tpu.memory_space<hbm>>
    %dma_start3A_7 = arith.constant 800 : i32
    %dma_start3A_8 = tpu.memref_slice %arg5[%dma_start3A_7] : memref<25600xi32, #tpu.memory_space<vmem>> -> memref<24800xi32, #tpu.memory_space<vmem>>
    %dma_start3A_9 = tpu.memref_slice %arg2[%add3A_4] : memref<819200xi32, #tpu.memory_space<hbm>> -> memref<24800xi32, #tpu.memory_space<hbm>>
    tpu.enqueue_dma source(%dma_start3A_9 : memref<24800xi32, #tpu.memory_space<hbm>>) target(%dma_start3A_8 : memref<24800xi32, #tpu.memory_space<vmem>>) target_semaphore(%arg15 : memref<!tpu.dma_semaphore, #tpu.memory_space<semaphore_mem>>)
    %dma_start3A_10 = arith.constant 0 : i32
    %dma_start3A_11 = tpu.memref_slice %arg5[%dma_start3A_10] : memref<25600xi32, #tpu.memory_space<vmem>> -> memref<400xi32, #tpu.memory_space<vmem>>
    %dma_start3A_12 = arith.constant 0 : i32
    %dma_start3A_13 = arith.constant 0 : i32
    %dma_start3A_14 = tpu.memref_slice %arg3[%dma_start3A_12, %dma_start3A_13] : memref<1000000x64xf32, #tpu.memory_space<hbm>> -> memref<1000000x64xf32, #tpu.memory_space<hbm>>
    tpu.enqueue_indirect_dma source(%dma_start3A_14 : memref<1000000x64xf32, #tpu.memory_space<hbm>>) target(%arg7 : memref<400x64xf32, #tpu.memory_space<vmem>>) offsets(%dma_start3A_11 : memref<400xi32, #tpu.memory_space<vmem>>) semaphore(%arg9 : memref<!tpu.dma_semaphore, #tpu.memory_space<semaphore_mem>>)
    %dma_start3A_15 = arith.constant 400 : i32
    %dma_start3A_16 = tpu.memref_slice %arg5[%dma_start3A_15] : memref<25600xi32, #tpu.memory_space<vmem>> -> memref<400xi32, #tpu.memory_space<vmem>>
    %dma_start3A_17 = arith.constant 0 : i32
    %dma_start3A_18 = arith.constant 0 : i32
    %dma_start3A_19 = tpu.memref_slice %arg3[%dma_start3A_17, %dma_start3A_18] : memref<1000000x64xf32, #tpu.memory_space<hbm>> -> memref<1000000x64xf32, #tpu.memory_space<hbm>>
    tpu.enqueue_indirect_dma source(%dma_start3A_19 : memref<1000000x64xf32, #tpu.memory_space<hbm>>) target(%arg8 : memref<400x64xf32, #tpu.memory_space<vmem>>) offsets(%dma_start3A_16 : memref<400xi32, #tpu.memory_space<vmem>>) semaphore(%arg10 : memref<!tpu.dma_semaphore, #tpu.memory_space<semaphore_mem>>)
    %add3A_20 = arith.constant 800 : i32
    %add3A_21 = arith.addi %mul3A_2, %add3A_20 : i32
    %dma_wait3A = arith.constant 800 : i32
    %dma_wait3A_22 = tpu.memref_slice %arg5[%dma_wait3A] : memref<25600xi32, #tpu.memory_space<vmem>> -> memref<24800xi32, #tpu.memory_space<vmem>>
    %dma_wait3A_23 = tpu.memref_slice %arg2[%add3A_21] : memref<819200xi32, #tpu.memory_space<hbm>> -> memref<24800xi32, #tpu.memory_space<hbm>>
    %dma_wait3A_24 = arith.constant 800 : i32
    %dma_wait3A_25 = tpu.memref_slice %arg5[%dma_wait3A_24] : memref<25600xi32, #tpu.memory_space<vmem>> -> memref<24800xi32, #tpu.memory_space<vmem>>
    %dma_wait3A_26 = tpu.memref_slice %arg2[%add3A_21] : memref<819200xi32, #tpu.memory_space<hbm>> -> memref<24800xi32, #tpu.memory_space<hbm>>
    tpu.wait_dma2 semaphore(%arg15 : memref<!tpu.dma_semaphore, #tpu.memory_space<semaphore_mem>>) src(%dma_wait3A_26 : memref<24800xi32, #tpu.memory_space<hbm>>) dst(%dma_wait3A_25 : memref<24800xi32, #tpu.memory_space<vmem>>)
    %dma_wait3A_27 = arith.constant 0 : i32
    %dma_wait3A_28 = tpu.memref_slice %arg5[%dma_wait3A_27] : memref<25600xi32, #tpu.memory_space<vmem>> -> memref<400xi32, #tpu.memory_space<vmem>>
    %dma_wait3A_29 = arith.constant 0 : i32
    %dma_wait3A_30 = arith.constant 0 : i32
    %dma_wait3A_31 = tpu.memref_slice %arg3[%dma_wait3A_29, %dma_wait3A_30] : memref<1000000x64xf32, #tpu.memory_space<hbm>> -> memref<1000000x64xf32, #tpu.memory_space<hbm>>
    tpu.wait_indirect_dma semaphore(%arg9 : memref<!tpu.dma_semaphore, #tpu.memory_space<semaphore_mem>>) src(%dma_wait3A_31 : memref<1000000x64xf32, #tpu.memory_space<hbm>>) dst(%arg7 : memref<400x64xf32, #tpu.memory_space<vmem>>)
    %dma_start3A_32 = arith.constant 0 : i32
    %dma_start3A_33 = arith.constant 0 : i32
    %dma_start3A_34 = arith.constant 0 : i32
    %dma_start3A_35 = tpu.memref_slice %arg6[%arg1, %dma_start3A_32, %dma_start3A_33, %dma_start3A_34] : memref<16x2x400x64xf32, #tpu.memory_space<vmem_shared>> -> memref<1x1x400x64xf32, #tpu.memory_space<vmem_shared>>
    %dma_start3A_36 = tpu.memref_squeeze %dma_start3A_35 : memref<1x1x400x64xf32, #tpu.memory_space<vmem_shared>> -> memref<400x64xf32, #tpu.memory_space<vmem_shared>>
    %dma_start3A_37 = arith.constant 0 : i32
    %dma_start3A_38 = arith.constant 0 : i32
    %dma_start3A_39 = tpu.memref_slice %arg6[%arg1, %dma_start3A_32, %dma_start3A_37, %dma_start3A_38] : memref<16x2x400x64xf32, #tpu.memory_space<vmem_shared>> -> memref<1x1x400x64xf32, #tpu.memory_space<vmem_shared>>
    %dma_start3A_40 = tpu.memref_squeeze %dma_start3A_39 : memref<1x1x400x64xf32, #tpu.memory_space<vmem_shared>> -> memref<400x64xf32, #tpu.memory_space<vmem_shared>>
    tpu.enqueue_dma source(%arg7 : memref<400x64xf32, #tpu.memory_space<vmem>>) target(%dma_start3A_40 : memref<400x64xf32, #tpu.memory_space<vmem_shared>>) target_semaphore(%arg11 : memref<!tpu.dma_semaphore, #tpu.memory_space<semaphore_mem>>)
    %dma_wait3A_41 = arith.constant 0 : i32
    %dma_wait3A_42 = arith.constant 0 : i32
    %dma_wait3A_43 = arith.constant 0 : i32
    %dma_wait3A_44 = tpu.memref_slice %arg6[%arg1, %dma_wait3A_41, %dma_wait3A_42, %dma_wait3A_43] : memref<16x2x400x64xf32, #tpu.memory_space<vmem_shared>> -> memref<1x1x400x64xf32, #tpu.memory_space<vmem_shared>>
    %dma_wait3A_45 = tpu.memref_squeeze %dma_wait3A_44 : memref<1x1x400x64xf32, #tpu.memory_space<vmem_shared>> -> memref<400x64xf32, #tpu.memory_space<vmem_shared>>
    %dma_wait3A_46 = arith.constant 0 : i32
    %dma_wait3A_47 = arith.constant 0 : i32
    %dma_wait3A_48 = tpu.memref_slice %arg6[%arg1, %dma_wait3A_41, %dma_wait3A_46, %dma_wait3A_47] : memref<16x2x400x64xf32, #tpu.memory_space<vmem_shared>> -> memref<1x1x400x64xf32, #tpu.memory_space<vmem_shared>>
    %dma_wait3A_49 = tpu.memref_squeeze %dma_wait3A_48 : memref<1x1x400x64xf32, #tpu.memory_space<vmem_shared>> -> memref<400x64xf32, #tpu.memory_space<vmem_shared>>
    tpu.wait_dma2 semaphore(%arg11 : memref<!tpu.dma_semaphore, #tpu.memory_space<semaphore_mem>>) src(%arg7 : memref<400x64xf32, #tpu.memory_space<vmem>>) dst(%dma_wait3A_49 : memref<400x64xf32, #tpu.memory_space<vmem_shared>>)
    %add3A_50 = arith.constant 0 : i32
    %add3A_51 = arith.addi %mul3A_2, %add3A_50 : i32
    %dma_start3A_52 = arith.constant 0 : i32
    %dma_start3A_53 = arith.constant 0 : i32
    %dma_start3A_54 = tpu.memref_slice %arg4[%add3A_51, %dma_start3A_53] : memref<819200x64xf32, #tpu.memory_space<hbm>> -> memref<400x64xf32, #tpu.memory_space<hbm>>
    %dma_start3A_55 = arith.constant 0 : i32
    %dma_start3A_56 = arith.constant 0 : i32
    %dma_start3A_57 = tpu.memref_slice %arg6[%arg1, %dma_start3A_52, %dma_start3A_55, %dma_start3A_56] : memref<16x2x400x64xf32, #tpu.memory_space<vmem_shared>> -> memref<1x1x400x64xf32, #tpu.memory_space<vmem_shared>>
    %dma_start3A_58 = tpu.memref_squeeze %dma_start3A_57 : memref<1x1x400x64xf32, #tpu.memory_space<vmem_shared>> -> memref<400x64xf32, #tpu.memory_space<vmem_shared>>
    tpu.enqueue_dma source(%dma_start3A_58 : memref<400x64xf32, #tpu.memory_space<vmem_shared>>) target(%dma_start3A_54 : memref<400x64xf32, #tpu.memory_space<hbm>>) target_semaphore(%arg13 : memref<!tpu.dma_semaphore, #tpu.memory_space<semaphore_mem>>)
    %dma_start3A_59 = arith.constant 800 : i32
    %dma_start3A_60 = tpu.memref_slice %arg5[%dma_start3A_59] : memref<25600xi32, #tpu.memory_space<vmem>> -> memref<400xi32, #tpu.memory_space<vmem>>
    %dma_start3A_61 = arith.constant 0 : i32
    %dma_start3A_62 = arith.constant 0 : i32
    %dma_start3A_63 = tpu.memref_slice %arg3[%dma_start3A_61, %dma_start3A_62] : memref<1000000x64xf32, #tpu.memory_space<hbm>> -> memref<1000000x64xf32, #tpu.memory_space<hbm>>
    tpu.enqueue_indirect_dma source(%dma_start3A_63 : memref<1000000x64xf32, #tpu.memory_space<hbm>>) target(%arg7 : memref<400x64xf32, #tpu.memory_space<vmem>>) offsets(%dma_start3A_60 : memref<400xi32, #tpu.memory_space<vmem>>) semaphore(%arg9 : memref<!tpu.dma_semaphore, #tpu.memory_space<semaphore_mem>>)
    %dma_wait3A_64 = arith.constant 400 : i32
    %dma_wait3A_65 = tpu.memref_slice %arg5[%dma_wait3A_64] : memref<25600xi32, #tpu.memory_space<vmem>> -> memref<400xi32, #tpu.memory_space<vmem>>
    %dma_wait3A_66 = arith.constant 0 : i32
    %dma_wait3A_67 = arith.constant 0 : i32
    %dma_wait3A_68 = tpu.memref_slice %arg3[%dma_wait3A_66, %dma_wait3A_67] : memref<1000000x64xf32, #tpu.memory_space<hbm>> -> memref<1000000x64xf32, #tpu.memory_space<hbm>>
    tpu.wait_indirect_dma semaphore(%arg10 : memref<!tpu.dma_semaphore, #tpu.memory_space<semaphore_mem>>) src(%dma_wait3A_68 : memref<1000000x64xf32, #tpu.memory_space<hbm>>) dst(%arg8 : memref<400x64xf32, #tpu.memory_space<vmem>>)
    %dma_start3A_69 = arith.constant 1 : i32
    %dma_start3A_70 = arith.constant 0 : i32
    %dma_start3A_71 = arith.constant 0 : i32
    %dma_start3A_72 = tpu.memref_slice %arg6[%arg1, %dma_start3A_69, %dma_start3A_70, %dma_start3A_71] : memref<16x2x400x64xf32, #tpu.memory_space<vmem_shared>> -> memref<1x1x400x64xf32, #tpu.memory_space<vmem_shared>>
    %dma_start3A_73 = tpu.memref_squeeze %dma_start3A_72 : memref<1x1x400x64xf32, #tpu.memory_space<vmem_shared>> -> memref<400x64xf32, #tpu.memory_space<vmem_shared>>
    %dma_start3A_74 = arith.constant 0 : i32
    %dma_start3A_75 = arith.constant 0 : i32
    %dma_start3A_76 = tpu.memref_slice %arg6[%arg1, %dma_start3A_69, %dma_start3A_74, %dma_start3A_75] : memref<16x2x400x64xf32, #tpu.memory_space<vmem_shared>> -> memref<1x1x400x64xf32, #tpu.memory_space<vmem_shared>>
    %dma_start3A_77 = tpu.memref_squeeze %dma_start3A_76 : memref<1x1x400x64xf32, #tpu.memory_space<vmem_shared>> -> memref<400x64xf32, #tpu.memory_space<vmem_shared>>
    tpu.enqueue_dma source(%arg8 : memref<400x64xf32, #tpu.memory_space<vmem>>) target(%dma_start3A_77 : memref<400x64xf32, #tpu.memory_space<vmem_shared>>) target_semaphore(%arg12 : memref<!tpu.dma_semaphore, #tpu.memory_space<semaphore_mem>>)
    %dma_wait3A_78 = arith.constant 1 : i32
    %dma_wait3A_79 = arith.constant 0 : i32
    %dma_wait3A_80 = arith.constant 0 : i32
    %dma_wait3A_81 = tpu.memref_slice %arg6[%arg1, %dma_wait3A_78, %dma_wait3A_79, %dma_wait3A_80] : memref<16x2x400x64xf32, #tpu.memory_space<vmem_shared>> -> memref<1x1x400x64xf32, #tpu.memory_space<vmem_shared>>
    %dma_wait3A_82 = tpu.memref_squeeze %dma_wait3A_81 : memref<1x1x400x64xf32, #tpu.memory_space<vmem_shared>> -> memref<400x64xf32, #tpu.memory_space<vmem_shared>>
    %dma_wait3A_83 = arith.constant 0 : i32
    %dma_wait3A_84 = arith.constant 0 : i32
    %dma_wait3A_85 = tpu.memref_slice %arg6[%arg1, %dma_wait3A_78, %dma_wait3A_83, %dma_wait3A_84] : memref<16x2x400x64xf32, #tpu.memory_space<vmem_shared>> -> memref<1x1x400x64xf32, #tpu.memory_space<vmem_shared>>
    %dma_wait3A_86 = tpu.memref_squeeze %dma_wait3A_85 : memref<1x1x400x64xf32, #tpu.memory_space<vmem_shared>> -> memref<400x64xf32, #tpu.memory_space<vmem_shared>>
    tpu.wait_dma2 semaphore(%arg12 : memref<!tpu.dma_semaphore, #tpu.memory_space<semaphore_mem>>) src(%arg8 : memref<400x64xf32, #tpu.memory_space<vmem>>) dst(%dma_wait3A_86 : memref<400x64xf32, #tpu.memory_space<vmem_shared>>)
    %add3A_87 = arith.constant 400 : i32
    %add3A_88 = arith.addi %mul3A_2, %add3A_87 : i32
    %dma_start3A_89 = arith.constant 1 : i32
    %dma_start3A_90 = arith.constant 0 : i32
    %dma_start3A_91 = tpu.memref_slice %arg4[%add3A_88, %dma_start3A_90] : memref<819200x64xf32, #tpu.memory_space<hbm>> -> memref<400x64xf32, #tpu.memory_space<hbm>>
    %dma_start3A_92 = arith.constant 0 : i32
    %dma_start3A_93 = arith.constant 0 : i32
    %dma_start3A_94 = tpu.memref_slice %arg6[%arg1, %dma_start3A_89, %dma_start3A_92, %dma_start3A_93] : memref<16x2x400x64xf32, #tpu.memory_space<vmem_shared>> -> memref<1x1x400x64xf32, #tpu.memory_space<vmem_shared>>
    %dma_start3A_95 = tpu.memref_squeeze %dma_start3A_94 : memref<1x1x400x64xf32, #tpu.memory_space<vmem_shared>> -> memref<400x64xf32, #tpu.memory_space<vmem_shared>>
    tpu.enqueue_dma source(%dma_start3A_95 : memref<400x64xf32, #tpu.memory_space<vmem_shared>>) target(%dma_start3A_91 : memref<400x64xf32, #tpu.memory_space<hbm>>) target_semaphore(%arg14 : memref<!tpu.dma_semaphore, #tpu.memory_space<semaphore_mem>>)
    %dma_start3A_96 = arith.constant 1200 : i32
    %dma_start3A_97 = tpu.memref_slice %arg5[%dma_start3A_96] : memref<25600xi32, #tpu.memory_space<vmem>> -> memref<400xi32, #tpu.memory_space<vmem>>
    %dma_start3A_98 = arith.constant 0 : i32
    %dma_start3A_99 = arith.constant 0 : i32
    %dma_start3A_100 = tpu.memref_slice %arg3[%dma_start3A_98, %dma_start3A_99] : memref<1000000x64xf32, #tpu.memory_space<hbm>> -> memref<1000000x64xf32, #tpu.memory_space<hbm>>
    tpu.enqueue_indirect_dma source(%dma_start3A_100 : memref<1000000x64xf32, #tpu.memory_space<hbm>>) target(%arg8 : memref<400x64xf32, #tpu.memory_space<vmem>>) offsets(%dma_start3A_97 : memref<400xi32, #tpu.memory_space<vmem>>) semaphore(%arg10 : memref<!tpu.dma_semaphore, #tpu.memory_space<semaphore_mem>>)
    %scan3A = arith.constant 0 : i32
    %scan3A_101 = arith.constant 1 : i32
    %scan3A_102 = arith.constant 30 : i32
    %scan3A_103 = arith.addi %scan3A_101, %scan3A_102 : i32
    %scan3A_104 = arith.constant 1 : i32
    scf.for %scan3A_206 = %scan3A_101 to %scan3A_103 step %scan3A_104  : i32 {
      %mul3A_207 = arith.constant 2 : i32
      %mul3A_208 = arith.muli %scan3A_206, %mul3A_207 : i32
      %add3A_209 = arith.constant 0 : i32
      %add3A_210 = arith.addi %mul3A_208, %add3A_209 : i32
      %mul3A_211 = arith.constant 400 : i32
      %mul3A_212 = arith.muli %add3A_210, %mul3A_211 : i32
      %dma_wait3A_213 = tpu.memref_slice %arg5[%mul3A_212] : memref<25600xi32, #tpu.memory_space<vmem>> -> memref<400xi32, #tpu.memory_space<vmem>>
      %dma_wait3A_214 = arith.constant 0 : i32
      %dma_wait3A_215 = arith.constant 0 : i32
      %dma_wait3A_216 = tpu.memref_slice %arg3[%dma_wait3A_214, %dma_wait3A_215] : memref<1000000x64xf32, #tpu.memory_space<hbm>> -> memref<1000000x64xf32, #tpu.memory_space<hbm>>
      tpu.wait_indirect_dma semaphore(%arg9 : memref<!tpu.dma_semaphore, #tpu.memory_space<semaphore_mem>>) src(%dma_wait3A_216 : memref<1000000x64xf32, #tpu.memory_space<hbm>>) dst(%arg7 : memref<400x64xf32, #tpu.memory_space<vmem>>)
      %sub3A = arith.constant 2 : i32
      %sub3A_217 = arith.subi %add3A_210, %sub3A : i32
      %mul3A_218 = arith.constant 400 : i32
      %mul3A_219 = arith.muli %sub3A_217, %mul3A_218 : i32
      %add3A_220 = arith.addi %mul3A_2, %mul3A_219 : i32
      %dma_wait3A_221 = arith.constant 0 : i32
      %dma_wait3A_222 = arith.constant 0 : i32
      %dma_wait3A_223 = tpu.memref_slice %arg4[%add3A_220, %dma_wait3A_222] : memref<819200x64xf32, #tpu.memory_space<hbm>> -> memref<400x64xf32, #tpu.memory_space<hbm>>
      %dma_wait3A_224 = arith.constant 0 : i32
      %dma_wait3A_225 = arith.constant 0 : i32
      %dma_wait3A_226 = tpu.memref_slice %arg6[%arg1, %dma_wait3A_221, %dma_wait3A_224, %dma_wait3A_225] : memref<16x2x400x64xf32, #tpu.memory_space<vmem_shared>> -> memref<1x1x400x64xf32, #tpu.memory_space<vmem_shared>>
      %dma_wait3A_227 = tpu.memref_squeeze %dma_wait3A_226 : memref<1x1x400x64xf32, #tpu.memory_space<vmem_shared>> -> memref<400x64xf32, #tpu.memory_space<vmem_shared>>
      tpu.wait_dma2 semaphore(%arg13 : memref<!tpu.dma_semaphore, #tpu.memory_space<semaphore_mem>>) src(%dma_wait3A_227 : memref<400x64xf32, #tpu.memory_space<vmem_shared>>) dst(%dma_wait3A_223 : memref<400x64xf32, #tpu.memory_space<hbm>>)
      %dma_start3A_228 = arith.constant 0 : i32
      %dma_start3A_229 = arith.constant 0 : i32
      %dma_start3A_230 = arith.constant 0 : i32
      %dma_start3A_231 = tpu.memref_slice %arg6[%arg1, %dma_start3A_228, %dma_start3A_229, %dma_start3A_230] : memref<16x2x400x64xf32, #tpu.memory_space<vmem_shared>> -> memref<1x1x400x64xf32, #tpu.memory_space<vmem_shared>>
      %dma_start3A_232 = tpu.memref_squeeze %dma_start3A_231 : memref<1x1x400x64xf32, #tpu.memory_space<vmem_shared>> -> memref<400x64xf32, #tpu.memory_space<vmem_shared>>
      %dma_start3A_233 = arith.constant 0 : i32
      %dma_start3A_234 = arith.constant 0 : i32
      %dma_start3A_235 = tpu.memref_slice %arg6[%arg1, %dma_start3A_228, %dma_start3A_233, %dma_start3A_234] : memref<16x2x400x64xf32, #tpu.memory_space<vmem_shared>> -> memref<1x1x400x64xf32, #tpu.memory_space<vmem_shared>>
      %dma_start3A_236 = tpu.memref_squeeze %dma_start3A_235 : memref<1x1x400x64xf32, #tpu.memory_space<vmem_shared>> -> memref<400x64xf32, #tpu.memory_space<vmem_shared>>
      tpu.enqueue_dma source(%arg7 : memref<400x64xf32, #tpu.memory_space<vmem>>) target(%dma_start3A_236 : memref<400x64xf32, #tpu.memory_space<vmem_shared>>) target_semaphore(%arg11 : memref<!tpu.dma_semaphore, #tpu.memory_space<semaphore_mem>>)
      %dma_wait3A_237 = arith.constant 0 : i32
      %dma_wait3A_238 = arith.constant 0 : i32
      %dma_wait3A_239 = arith.constant 0 : i32
      %dma_wait3A_240 = tpu.memref_slice %arg6[%arg1, %dma_wait3A_237, %dma_wait3A_238, %dma_wait3A_239] : memref<16x2x400x64xf32, #tpu.memory_space<vmem_shared>> -> memref<1x1x400x64xf32, #tpu.memory_space<vmem_shared>>
      %dma_wait3A_241 = tpu.memref_squeeze %dma_wait3A_240 : memref<1x1x400x64xf32, #tpu.memory_space<vmem_shared>> -> memref<400x64xf32, #tpu.memory_space<vmem_shared>>
      %dma_wait3A_242 = arith.constant 0 : i32
      %dma_wait3A_243 = arith.constant 0 : i32
      %dma_wait3A_244 = tpu.memref_slice %arg6[%arg1, %dma_wait3A_237, %dma_wait3A_242, %dma_wait3A_243] : memref<16x2x400x64xf32, #tpu.memory_space<vmem_shared>> -> memref<1x1x400x64xf32, #tpu.memory_space<vmem_shared>>
      %dma_wait3A_245 = tpu.memref_squeeze %dma_wait3A_244 : memref<1x1x400x64xf32, #tpu.memory_space<vmem_shared>> -> memref<400x64xf32, #tpu.memory_space<vmem_shared>>
      tpu.wait_dma2 semaphore(%arg11 : memref<!tpu.dma_semaphore, #tpu.memory_space<semaphore_mem>>) src(%arg7 : memref<400x64xf32, #tpu.memory_space<vmem>>) dst(%dma_wait3A_245 : memref<400x64xf32, #tpu.memory_space<vmem_shared>>)
      %mul3A_246 = arith.constant 400 : i32
      %mul3A_247 = arith.muli %add3A_210, %mul3A_246 : i32
      %add3A_248 = arith.addi %mul3A_2, %mul3A_247 : i32
      %dma_start3A_249 = arith.constant 0 : i32
      %dma_start3A_250 = arith.constant 0 : i32
      %dma_start3A_251 = tpu.memref_slice %arg4[%add3A_248, %dma_start3A_250] : memref<819200x64xf32, #tpu.memory_space<hbm>> -> memref<400x64xf32, #tpu.memory_space<hbm>>
      %dma_start3A_252 = arith.constant 0 : i32
      %dma_start3A_253 = arith.constant 0 : i32
      %dma_start3A_254 = tpu.memref_slice %arg6[%arg1, %dma_start3A_249, %dma_start3A_252, %dma_start3A_253] : memref<16x2x400x64xf32, #tpu.memory_space<vmem_shared>> -> memref<1x1x400x64xf32, #tpu.memory_space<vmem_shared>>
      %dma_start3A_255 = tpu.memref_squeeze %dma_start3A_254 : memref<1x1x400x64xf32, #tpu.memory_space<vmem_shared>> -> memref<400x64xf32, #tpu.memory_space<vmem_shared>>
      tpu.enqueue_dma source(%dma_start3A_255 : memref<400x64xf32, #tpu.memory_space<vmem_shared>>) target(%dma_start3A_251 : memref<400x64xf32, #tpu.memory_space<hbm>>) target_semaphore(%arg13 : memref<!tpu.dma_semaphore, #tpu.memory_space<semaphore_mem>>)
      %add3A_256 = arith.constant 2 : i32
      %add3A_257 = arith.addi %add3A_210, %add3A_256 : i32
      %mul3A_258 = arith.constant 400 : i32
      %mul3A_259 = arith.muli %add3A_257, %mul3A_258 : i32
      %dma_start3A_260 = tpu.memref_slice %arg5[%mul3A_259] : memref<25600xi32, #tpu.memory_space<vmem>> -> memref<400xi32, #tpu.memory_space<vmem>>
      %dma_start3A_261 = arith.constant 0 : i32
      %dma_start3A_262 = arith.constant 0 : i32
      %dma_start3A_263 = tpu.memref_slice %arg3[%dma_start3A_261, %dma_start3A_262] : memref<1000000x64xf32, #tpu.memory_space<hbm>> -> memref<1000000x64xf32, #tpu.memory_space<hbm>>
      tpu.enqueue_indirect_dma source(%dma_start3A_263 : memref<1000000x64xf32, #tpu.memory_space<hbm>>) target(%arg7 : memref<400x64xf32, #tpu.memory_space<vmem>>) offsets(%dma_start3A_260 : memref<400xi32, #tpu.memory_space<vmem>>) semaphore(%arg9 : memref<!tpu.dma_semaphore, #tpu.memory_space<semaphore_mem>>)
      %mul3A_264 = arith.constant 2 : i32
      %mul3A_265 = arith.muli %scan3A_206, %mul3A_264 : i32
      %add3A_266 = arith.constant 1 : i32
      %add3A_267 = arith.addi %mul3A_265, %add3A_266 : i32
      %mul3A_268 = arith.constant 400 : i32
      %mul3A_269 = arith.muli %add3A_267, %mul3A_268 : i32
      %dma_wait3A_270 = tpu.memref_slice %arg5[%mul3A_269] : memref<25600xi32, #tpu.memory_space<vmem>> -> memref<400xi32, #tpu.memory_space<vmem>>
      %dma_wait3A_271 = arith.constant 0 : i32
      %dma_wait3A_272 = arith.constant 0 : i32
      %dma_wait3A_273 = tpu.memref_slice %arg3[%dma_wait3A_271, %dma_wait3A_272] : memref<1000000x64xf32, #tpu.memory_space<hbm>> -> memref<1000000x64xf32, #tpu.memory_space<hbm>>
      tpu.wait_indirect_dma semaphore(%arg10 : memref<!tpu.dma_semaphore, #tpu.memory_space<semaphore_mem>>) src(%dma_wait3A_273 : memref<1000000x64xf32, #tpu.memory_space<hbm>>) dst(%arg8 : memref<400x64xf32, #tpu.memory_space<vmem>>)
      %sub3A_274 = arith.constant 2 : i32
      %sub3A_275 = arith.subi %add3A_267, %sub3A_274 : i32
      %mul3A_276 = arith.constant 400 : i32
      %mul3A_277 = arith.muli %sub3A_275, %mul3A_276 : i32
      %add3A_278 = arith.addi %mul3A_2, %mul3A_277 : i32
      %dma_wait3A_279 = arith.constant 1 : i32
      %dma_wait3A_280 = arith.constant 0 : i32
      %dma_wait3A_281 = tpu.memref_slice %arg4[%add3A_278, %dma_wait3A_280] : memref<819200x64xf32, #tpu.memory_space<hbm>> -> memref<400x64xf32, #tpu.memory_space<hbm>>
      %dma_wait3A_282 = arith.constant 0 : i32
      %dma_wait3A_283 = arith.constant 0 : i32
      %dma_wait3A_284 = tpu.memref_slice %arg6[%arg1, %dma_wait3A_279, %dma_wait3A_282, %dma_wait3A_283] : memref<16x2x400x64xf32, #tpu.memory_space<vmem_shared>> -> memref<1x1x400x64xf32, #tpu.memory_space<vmem_shared>>
      %dma_wait3A_285 = tpu.memref_squeeze %dma_wait3A_284 : memref<1x1x400x64xf32, #tpu.memory_space<vmem_shared>> -> memref<400x64xf32, #tpu.memory_space<vmem_shared>>
      tpu.wait_dma2 semaphore(%arg14 : memref<!tpu.dma_semaphore, #tpu.memory_space<semaphore_mem>>) src(%dma_wait3A_285 : memref<400x64xf32, #tpu.memory_space<vmem_shared>>) dst(%dma_wait3A_281 : memref<400x64xf32, #tpu.memory_space<hbm>>)
      %dma_start3A_286 = arith.constant 1 : i32
      %dma_start3A_287 = arith.constant 0 : i32
      %dma_start3A_288 = arith.constant 0 : i32
      %dma_start3A_289 = tpu.memref_slice %arg6[%arg1, %dma_start3A_286, %dma_start3A_287, %dma_start3A_288] : memref<16x2x400x64xf32, #tpu.memory_space<vmem_shared>> -> memref<1x1x400x64xf32, #tpu.memory_space<vmem_shared>>
      %dma_start3A_290 = tpu.memref_squeeze %dma_start3A_289 : memref<1x1x400x64xf32, #tpu.memory_space<vmem_shared>> -> memref<400x64xf32, #tpu.memory_space<vmem_shared>>
      %dma_start3A_291 = arith.constant 0 : i32
      %dma_start3A_292 = arith.constant 0 : i32
      %dma_start3A_293 = tpu.memref_slice %arg6[%arg1, %dma_start3A_286, %dma_start3A_291, %dma_start3A_292] : memref<16x2x400x64xf32, #tpu.memory_space<vmem_shared>> -> memref<1x1x400x64xf32, #tpu.memory_space<vmem_shared>>
      %dma_start3A_294 = tpu.memref_squeeze %dma_start3A_293 : memref<1x1x400x64xf32, #tpu.memory_space<vmem_shared>> -> memref<400x64xf32, #tpu.memory_space<vmem_shared>>
      tpu.enqueue_dma source(%arg8 : memref<400x64xf32, #tpu.memory_space<vmem>>) target(%dma_start3A_294 : memref<400x64xf32, #tpu.memory_space<vmem_shared>>) target_semaphore(%arg12 : memref<!tpu.dma_semaphore, #tpu.memory_space<semaphore_mem>>)
      %dma_wait3A_295 = arith.constant 1 : i32
      %dma_wait3A_296 = arith.constant 0 : i32
      %dma_wait3A_297 = arith.constant 0 : i32
      %dma_wait3A_298 = tpu.memref_slice %arg6[%arg1, %dma_wait3A_295, %dma_wait3A_296, %dma_wait3A_297] : memref<16x2x400x64xf32, #tpu.memory_space<vmem_shared>> -> memref<1x1x400x64xf32, #tpu.memory_space<vmem_shared>>
      %dma_wait3A_299 = tpu.memref_squeeze %dma_wait3A_298 : memref<1x1x400x64xf32, #tpu.memory_space<vmem_shared>> -> memref<400x64xf32, #tpu.memory_space<vmem_shared>>
      %dma_wait3A_300 = arith.constant 0 : i32
      %dma_wait3A_301 = arith.constant 0 : i32
      %dma_wait3A_302 = tpu.memref_slice %arg6[%arg1, %dma_wait3A_295, %dma_wait3A_300, %dma_wait3A_301] : memref<16x2x400x64xf32, #tpu.memory_space<vmem_shared>> -> memref<1x1x400x64xf32, #tpu.memory_space<vmem_shared>>
      %dma_wait3A_303 = tpu.memref_squeeze %dma_wait3A_302 : memref<1x1x400x64xf32, #tpu.memory_space<vmem_shared>> -> memref<400x64xf32, #tpu.memory_space<vmem_shared>>
      tpu.wait_dma2 semaphore(%arg12 : memref<!tpu.dma_semaphore, #tpu.memory_space<semaphore_mem>>) src(%arg8 : memref<400x64xf32, #tpu.memory_space<vmem>>) dst(%dma_wait3A_303 : memref<400x64xf32, #tpu.memory_space<vmem_shared>>)
      %mul3A_304 = arith.constant 400 : i32
      %mul3A_305 = arith.muli %add3A_267, %mul3A_304 : i32
      %add3A_306 = arith.addi %mul3A_2, %mul3A_305 : i32
      %dma_start3A_307 = arith.constant 1 : i32
      %dma_start3A_308 = arith.constant 0 : i32
      %dma_start3A_309 = tpu.memref_slice %arg4[%add3A_306, %dma_start3A_308] : memref<819200x64xf32, #tpu.memory_space<hbm>> -> memref<400x64xf32, #tpu.memory_space<hbm>>
      %dma_start3A_310 = arith.constant 0 : i32
      %dma_start3A_311 = arith.constant 0 : i32
      %dma_start3A_312 = tpu.memref_slice %arg6[%arg1, %dma_start3A_307, %dma_start3A_310, %dma_start3A_311] : memref<16x2x400x64xf32, #tpu.memory_space<vmem_shared>> -> memref<1x1x400x64xf32, #tpu.memory_space<vmem_shared>>
      %dma_start3A_313 = tpu.memref_squeeze %dma_start3A_312 : memref<1x1x400x64xf32, #tpu.memory_space<vmem_shared>> -> memref<400x64xf32, #tpu.memory_space<vmem_shared>>
      tpu.enqueue_dma source(%dma_start3A_313 : memref<400x64xf32, #tpu.memory_space<vmem_shared>>) target(%dma_start3A_309 : memref<400x64xf32, #tpu.memory_space<hbm>>) target_semaphore(%arg14 : memref<!tpu.dma_semaphore, #tpu.memory_space<semaphore_mem>>)
      %add3A_314 = arith.constant 2 : i32
      %add3A_315 = arith.addi %add3A_267, %add3A_314 : i32
      %mul3A_316 = arith.constant 400 : i32
      %mul3A_317 = arith.muli %add3A_315, %mul3A_316 : i32
      %dma_start3A_318 = tpu.memref_slice %arg5[%mul3A_317] : memref<25600xi32, #tpu.memory_space<vmem>> -> memref<400xi32, #tpu.memory_space<vmem>>
      %dma_start3A_319 = arith.constant 0 : i32
      %dma_start3A_320 = arith.constant 0 : i32
      %dma_start3A_321 = tpu.memref_slice %arg3[%dma_start3A_319, %dma_start3A_320] : memref<1000000x64xf32, #tpu.memory_space<hbm>> -> memref<1000000x64xf32, #tpu.memory_space<hbm>>
      tpu.enqueue_indirect_dma source(%dma_start3A_321 : memref<1000000x64xf32, #tpu.memory_space<hbm>>) target(%arg8 : memref<400x64xf32, #tpu.memory_space<vmem>>) offsets(%dma_start3A_318 : memref<400xi32, #tpu.memory_space<vmem>>) semaphore(%arg10 : memref<!tpu.dma_semaphore, #tpu.memory_space<semaphore_mem>>)
    }
    %scan3A_105 = arith.constant 30 : i32
    %dma_wait3A_106 = arith.constant 24800 : i32
    %dma_wait3A_107 = tpu.memref_slice %arg5[%dma_wait3A_106] : memref<25600xi32, #tpu.memory_space<vmem>> -> memref<400xi32, #tpu.memory_space<vmem>>
    %dma_wait3A_108 = arith.constant 0 : i32
    %dma_wait3A_109 = arith.constant 0 : i32
    %dma_wait3A_110 = tpu.memref_slice %arg3[%dma_wait3A_108, %dma_wait3A_109] : memref<1000000x64xf32, #tpu.memory_space<hbm>> -> memref<1000000x64xf32, #tpu.memory_space<hbm>>
    tpu.wait_indirect_dma semaphore(%arg9 : memref<!tpu.dma_semaphore, #tpu.memory_space<semaphore_mem>>) src(%dma_wait3A_110 : memref<1000000x64xf32, #tpu.memory_space<hbm>>) dst(%arg7 : memref<400x64xf32, #tpu.memory_space<vmem>>)
    %add3A_111 = arith.constant 24000 : i32
    %add3A_112 = arith.addi %mul3A_2, %add3A_111 : i32
    %dma_wait3A_113 = arith.constant 0 : i32
    %dma_wait3A_114 = arith.constant 0 : i32
    %dma_wait3A_115 = tpu.memref_slice %arg4[%add3A_112, %dma_wait3A_114] : memref<819200x64xf32, #tpu.memory_space<hbm>> -> memref<400x64xf32, #tpu.memory_space<hbm>>
    %dma_wait3A_116 = arith.constant 0 : i32
    %dma_wait3A_117 = arith.constant 0 : i32
    %dma_wait3A_118 = tpu.memref_slice %arg6[%arg1, %dma_wait3A_113, %dma_wait3A_116, %dma_wait3A_117] : memref<16x2x400x64xf32, #tpu.memory_space<vmem_shared>> -> memref<1x1x400x64xf32, #tpu.memory_space<vmem_shared>>
    %dma_wait3A_119 = tpu.memref_squeeze %dma_wait3A_118 : memref<1x1x400x64xf32, #tpu.memory_space<vmem_shared>> -> memref<400x64xf32, #tpu.memory_space<vmem_shared>>
    tpu.wait_dma2 semaphore(%arg13 : memref<!tpu.dma_semaphore, #tpu.memory_space<semaphore_mem>>) src(%dma_wait3A_119 : memref<400x64xf32, #tpu.memory_space<vmem_shared>>) dst(%dma_wait3A_115 : memref<400x64xf32, #tpu.memory_space<hbm>>)
    %dma_start3A_120 = arith.constant 0 : i32
    %dma_start3A_121 = arith.constant 0 : i32
    %dma_start3A_122 = arith.constant 0 : i32
    %dma_start3A_123 = tpu.memref_slice %arg6[%arg1, %dma_start3A_120, %dma_start3A_121, %dma_start3A_122] : memref<16x2x400x64xf32, #tpu.memory_space<vmem_shared>> -> memref<1x1x400x64xf32, #tpu.memory_space<vmem_shared>>
    %dma_start3A_124 = tpu.memref_squeeze %dma_start3A_123 : memref<1x1x400x64xf32, #tpu.memory_space<vmem_shared>> -> memref<400x64xf32, #tpu.memory_space<vmem_shared>>
    %dma_start3A_125 = arith.constant 0 : i32
    %dma_start3A_126 = arith.constant 0 : i32
    %dma_start3A_127 = tpu.memref_slice %arg6[%arg1, %dma_start3A_120, %dma_start3A_125, %dma_start3A_126] : memref<16x2x400x64xf32, #tpu.memory_space<vmem_shared>> -> memref<1x1x400x64xf32, #tpu.memory_space<vmem_shared>>
    %dma_start3A_128 = tpu.memref_squeeze %dma_start3A_127 : memref<1x1x400x64xf32, #tpu.memory_space<vmem_shared>> -> memref<400x64xf32, #tpu.memory_space<vmem_shared>>
    tpu.enqueue_dma source(%arg7 : memref<400x64xf32, #tpu.memory_space<vmem>>) target(%dma_start3A_128 : memref<400x64xf32, #tpu.memory_space<vmem_shared>>) target_semaphore(%arg11 : memref<!tpu.dma_semaphore, #tpu.memory_space<semaphore_mem>>)
    %dma_wait3A_129 = arith.constant 0 : i32
    %dma_wait3A_130 = arith.constant 0 : i32
    %dma_wait3A_131 = arith.constant 0 : i32
    %dma_wait3A_132 = tpu.memref_slice %arg6[%arg1, %dma_wait3A_129, %dma_wait3A_130, %dma_wait3A_131] : memref<16x2x400x64xf32, #tpu.memory_space<vmem_shared>> -> memref<1x1x400x64xf32, #tpu.memory_space<vmem_shared>>
    %dma_wait3A_133 = tpu.memref_squeeze %dma_wait3A_132 : memref<1x1x400x64xf32, #tpu.memory_space<vmem_shared>> -> memref<400x64xf32, #tpu.memory_space<vmem_shared>>
    %dma_wait3A_134 = arith.constant 0 : i32
    %dma_wait3A_135 = arith.constant 0 : i32
    %dma_wait3A_136 = tpu.memref_slice %arg6[%arg1, %dma_wait3A_129, %dma_wait3A_134, %dma_wait3A_135] : memref<16x2x400x64xf32, #tpu.memory_space<vmem_shared>> -> memref<1x1x400x64xf32, #tpu.memory_space<vmem_shared>>
    %dma_wait3A_137 = tpu.memref_squeeze %dma_wait3A_136 : memref<1x1x400x64xf32, #tpu.memory_space<vmem_shared>> -> memref<400x64xf32, #tpu.memory_space<vmem_shared>>
    tpu.wait_dma2 semaphore(%arg11 : memref<!tpu.dma_semaphore, #tpu.memory_space<semaphore_mem>>) src(%arg7 : memref<400x64xf32, #tpu.memory_space<vmem>>) dst(%dma_wait3A_137 : memref<400x64xf32, #tpu.memory_space<vmem_shared>>)
    %add3A_138 = arith.constant 24800 : i32
    %add3A_139 = arith.addi %mul3A_2, %add3A_138 : i32
    %dma_start3A_140 = arith.constant 0 : i32
    %dma_start3A_141 = arith.constant 0 : i32
    %dma_start3A_142 = tpu.memref_slice %arg4[%add3A_139, %dma_start3A_141] : memref<819200x64xf32, #tpu.memory_space<hbm>> -> memref<400x64xf32, #tpu.memory_space<hbm>>
    %dma_start3A_143 = arith.constant 0 : i32
    %dma_start3A_144 = arith.constant 0 : i32
    %dma_start3A_145 = tpu.memref_slice %arg6[%arg1, %dma_start3A_140, %dma_start3A_143, %dma_start3A_144] : memref<16x2x400x64xf32, #tpu.memory_space<vmem_shared>> -> memref<1x1x400x64xf32, #tpu.memory_space<vmem_shared>>
    %dma_start3A_146 = tpu.memref_squeeze %dma_start3A_145 : memref<1x1x400x64xf32, #tpu.memory_space<vmem_shared>> -> memref<400x64xf32, #tpu.memory_space<vmem_shared>>
    tpu.enqueue_dma source(%dma_start3A_146 : memref<400x64xf32, #tpu.memory_space<vmem_shared>>) target(%dma_start3A_142 : memref<400x64xf32, #tpu.memory_space<hbm>>) target_semaphore(%arg13 : memref<!tpu.dma_semaphore, #tpu.memory_space<semaphore_mem>>)
    %dma_wait3A_147 = arith.constant 25200 : i32
    %dma_wait3A_148 = tpu.memref_slice %arg5[%dma_wait3A_147] : memref<25600xi32, #tpu.memory_space<vmem>> -> memref<400xi32, #tpu.memory_space<vmem>>
    %dma_wait3A_149 = arith.constant 0 : i32
    %dma_wait3A_150 = arith.constant 0 : i32
    %dma_wait3A_151 = tpu.memref_slice %arg3[%dma_wait3A_149, %dma_wait3A_150] : memref<1000000x64xf32, #tpu.memory_space<hbm>> -> memref<1000000x64xf32, #tpu.memory_space<hbm>>
    tpu.wait_indirect_dma semaphore(%arg10 : memref<!tpu.dma_semaphore, #tpu.memory_space<semaphore_mem>>) src(%dma_wait3A_151 : memref<1000000x64xf32, #tpu.memory_space<hbm>>) dst(%arg8 : memref<400x64xf32, #tpu.memory_space<vmem>>)
    %add3A_152 = arith.constant 24400 : i32
    %add3A_153 = arith.addi %mul3A_2, %add3A_152 : i32
    %dma_wait3A_154 = arith.constant 1 : i32
    %dma_wait3A_155 = arith.constant 0 : i32
    %dma_wait3A_156 = tpu.memref_slice %arg4[%add3A_153, %dma_wait3A_155] : memref<819200x64xf32, #tpu.memory_space<hbm>> -> memref<400x64xf32, #tpu.memory_space<hbm>>
    %dma_wait3A_157 = arith.constant 0 : i32
    %dma_wait3A_158 = arith.constant 0 : i32
    %dma_wait3A_159 = tpu.memref_slice %arg6[%arg1, %dma_wait3A_154, %dma_wait3A_157, %dma_wait3A_158] : memref<16x2x400x64xf32, #tpu.memory_space<vmem_shared>> -> memref<1x1x400x64xf32, #tpu.memory_space<vmem_shared>>
    %dma_wait3A_160 = tpu.memref_squeeze %dma_wait3A_159 : memref<1x1x400x64xf32, #tpu.memory_space<vmem_shared>> -> memref<400x64xf32, #tpu.memory_space<vmem_shared>>
    tpu.wait_dma2 semaphore(%arg14 : memref<!tpu.dma_semaphore, #tpu.memory_space<semaphore_mem>>) src(%dma_wait3A_160 : memref<400x64xf32, #tpu.memory_space<vmem_shared>>) dst(%dma_wait3A_156 : memref<400x64xf32, #tpu.memory_space<hbm>>)
    %dma_start3A_161 = arith.constant 1 : i32
    %dma_start3A_162 = arith.constant 0 : i32
    %dma_start3A_163 = arith.constant 0 : i32
    %dma_start3A_164 = tpu.memref_slice %arg6[%arg1, %dma_start3A_161, %dma_start3A_162, %dma_start3A_163] : memref<16x2x400x64xf32, #tpu.memory_space<vmem_shared>> -> memref<1x1x400x64xf32, #tpu.memory_space<vmem_shared>>
    %dma_start3A_165 = tpu.memref_squeeze %dma_start3A_164 : memref<1x1x400x64xf32, #tpu.memory_space<vmem_shared>> -> memref<400x64xf32, #tpu.memory_space<vmem_shared>>
    %dma_start3A_166 = arith.constant 0 : i32
    %dma_start3A_167 = arith.constant 0 : i32
    %dma_start3A_168 = tpu.memref_slice %arg6[%arg1, %dma_start3A_161, %dma_start3A_166, %dma_start3A_167] : memref<16x2x400x64xf32, #tpu.memory_space<vmem_shared>> -> memref<1x1x400x64xf32, #tpu.memory_space<vmem_shared>>
    %dma_start3A_169 = tpu.memref_squeeze %dma_start3A_168 : memref<1x1x400x64xf32, #tpu.memory_space<vmem_shared>> -> memref<400x64xf32, #tpu.memory_space<vmem_shared>>
    tpu.enqueue_dma source(%arg8 : memref<400x64xf32, #tpu.memory_space<vmem>>) target(%dma_start3A_169 : memref<400x64xf32, #tpu.memory_space<vmem_shared>>) target_semaphore(%arg12 : memref<!tpu.dma_semaphore, #tpu.memory_space<semaphore_mem>>)
    %dma_wait3A_170 = arith.constant 1 : i32
    %dma_wait3A_171 = arith.constant 0 : i32
    %dma_wait3A_172 = arith.constant 0 : i32
    %dma_wait3A_173 = tpu.memref_slice %arg6[%arg1, %dma_wait3A_170, %dma_wait3A_171, %dma_wait3A_172] : memref<16x2x400x64xf32, #tpu.memory_space<vmem_shared>> -> memref<1x1x400x64xf32, #tpu.memory_space<vmem_shared>>
    %dma_wait3A_174 = tpu.memref_squeeze %dma_wait3A_173 : memref<1x1x400x64xf32, #tpu.memory_space<vmem_shared>> -> memref<400x64xf32, #tpu.memory_space<vmem_shared>>
    %dma_wait3A_175 = arith.constant 0 : i32
    %dma_wait3A_176 = arith.constant 0 : i32
    %dma_wait3A_177 = tpu.memref_slice %arg6[%arg1, %dma_wait3A_170, %dma_wait3A_175, %dma_wait3A_176] : memref<16x2x400x64xf32, #tpu.memory_space<vmem_shared>> -> memref<1x1x400x64xf32, #tpu.memory_space<vmem_shared>>
    %dma_wait3A_178 = tpu.memref_squeeze %dma_wait3A_177 : memref<1x1x400x64xf32, #tpu.memory_space<vmem_shared>> -> memref<400x64xf32, #tpu.memory_space<vmem_shared>>
    tpu.wait_dma2 semaphore(%arg12 : memref<!tpu.dma_semaphore, #tpu.memory_space<semaphore_mem>>) src(%arg8 : memref<400x64xf32, #tpu.memory_space<vmem>>) dst(%dma_wait3A_178 : memref<400x64xf32, #tpu.memory_space<vmem_shared>>)
    %add3A_179 = arith.constant 25200 : i32
    %add3A_180 = arith.addi %mul3A_2, %add3A_179 : i32
    %dma_start3A_181 = arith.constant 1 : i32
    %dma_start3A_182 = arith.constant 0 : i32
    %dma_start3A_183 = tpu.memref_slice %arg4[%add3A_180, %dma_start3A_182] : memref<819200x64xf32, #tpu.memory_space<hbm>> -> memref<400x64xf32, #tpu.memory_space<hbm>>
    %dma_start3A_184 = arith.constant 0 : i32
    %dma_start3A_185 = arith.constant 0 : i32
    %dma_start3A_186 = tpu.memref_slice %arg6[%arg1, %dma_start3A_181, %dma_start3A_184, %dma_start3A_185] : memref<16x2x400x64xf32, #tpu.memory_space<vmem_shared>> -> memref<1x1x400x64xf32, #tpu.memory_space<vmem_shared>>
    %dma_start3A_187 = tpu.memref_squeeze %dma_start3A_186 : memref<1x1x400x64xf32, #tpu.memory_space<vmem_shared>> -> memref<400x64xf32, #tpu.memory_space<vmem_shared>>
    tpu.enqueue_dma source(%dma_start3A_187 : memref<400x64xf32, #tpu.memory_space<vmem_shared>>) target(%dma_start3A_183 : memref<400x64xf32, #tpu.memory_space<hbm>>) target_semaphore(%arg14 : memref<!tpu.dma_semaphore, #tpu.memory_space<semaphore_mem>>)
    %add3A_188 = arith.constant 24800 : i32
    %add3A_189 = arith.addi %mul3A_2, %add3A_188 : i32
    %dma_wait3A_190 = arith.constant 0 : i32
    %dma_wait3A_191 = arith.constant 0 : i32
    %dma_wait3A_192 = tpu.memref_slice %arg4[%add3A_189, %dma_wait3A_191] : memref<819200x64xf32, #tpu.memory_space<hbm>> -> memref<400x64xf32, #tpu.memory_space<hbm>>
    %dma_wait3A_193 = arith.constant 0 : i32
    %dma_wait3A_194 = arith.constant 0 : i32
    %dma_wait3A_195 = tpu.memref_slice %arg6[%arg1, %dma_wait3A_190, %dma_wait3A_193, %dma_wait3A_194] : memref<16x2x400x64xf32, #tpu.memory_space<vmem_shared>> -> memref<1x1x400x64xf32, #tpu.memory_space<vmem_shared>>
    %dma_wait3A_196 = tpu.memref_squeeze %dma_wait3A_195 : memref<1x1x400x64xf32, #tpu.memory_space<vmem_shared>> -> memref<400x64xf32, #tpu.memory_space<vmem_shared>>
    tpu.wait_dma2 semaphore(%arg13 : memref<!tpu.dma_semaphore, #tpu.memory_space<semaphore_mem>>) src(%dma_wait3A_196 : memref<400x64xf32, #tpu.memory_space<vmem_shared>>) dst(%dma_wait3A_192 : memref<400x64xf32, #tpu.memory_space<hbm>>)
    %add3A_197 = arith.constant 25200 : i32
    %add3A_198 = arith.addi %mul3A_2, %add3A_197 : i32
    %dma_wait3A_199 = arith.constant 1 : i32
    %dma_wait3A_200 = arith.constant 0 : i32
    %dma_wait3A_201 = tpu.memref_slice %arg4[%add3A_198, %dma_wait3A_200] : memref<819200x64xf32, #tpu.memory_space<hbm>> -> memref<400x64xf32, #tpu.memory_space<hbm>>
    %dma_wait3A_202 = arith.constant 0 : i32
    %dma_wait3A_203 = arith.constant 0 : i32
    %dma_wait3A_204 = tpu.memref_slice %arg6[%arg1, %dma_wait3A_199, %dma_wait3A_202, %dma_wait3A_203] : memref<16x2x400x64xf32, #tpu.memory_space<vmem_shared>> -> memref<1x1x400x64xf32, #tpu.memory_space<vmem_shared>>
    %dma_wait3A_205 = tpu.memref_squeeze %dma_wait3A_204 : memref<1x1x400x64xf32, #tpu.memory_space<vmem_shared>> -> memref<400x64xf32, #tpu.memory_space<vmem_shared>>
    tpu.wait_dma2 semaphore(%arg14 : memref<!tpu.dma_semaphore, #tpu.memory_space<semaphore_mem>>) src(%dma_wait3A_205 : memref<400x64xf32, #tpu.memory_space<vmem_shared>>) dst(%dma_wait3A_201 : memref<400x64xf32, #tpu.memory_space<hbm>>)
    return
  }
}

</mosaic_0001>

<sc_bundles>
// kernel: kernel.3.cloned.1.call-start
scs
__scs_entry_jumppad:
0x0: {  	(pc) =	sbr.rel $0x88, $3  }
0x1: {  	(tag) =	ssettag $0x0;
	lr =	simm.s32 $0x1  }
0x2: {  	[smem:$0x3F9F] =	sst lr;
	_ =	strace $0xD0000000  }
0x3: {  	_ = 	snop  }
0x4: {  	_ = 	snop  }
0x5: {  	_ = 	snop  }
0x6: {  	_ = 	snop  }
0x7: {  	_ = 	snop  }
__scs_overlays_trampoline_lowered:
0x8: {  	[smem:$0x3FAE] =	sst s0  }
0x9: {  	[smem:$0x3FAF] =	sst s1  }
0xa: {  	[smem:$0x3FB0] =	sst s2  }
0xb: {  	[smem:$0x3FB1] =	sst s3  }
0xc: {  	[smem:$0x3FB2] =	sst s4  }
0xd: {  	[smem:$0x3FB3] =	sst s5  }
0xe: {  	[smem:$0x3FB4] =	sst s6  }
0xf: {  	[smem:$0x3FB5] =	sst s7  }
0x10: {  	[smem:$0x3FB6] =	sst s8  }
0x11: {  	[smem:$0x3FB7] =	sst s9;
	s0 =	simm.s32 @!p0 $0x0  }
0x12: {  	s1 =	sld [smem:$0x3F9D];
	s0 =	simm.s32 @p0 $0x1  }
0x13: {  	[smem:$0x3FB8] =	sst s0;
	s0 =	simm.s32 @!p1 $0x0  }
0x14: {  	s2 =	sld [smem:$0x3F9C];
	s0 =	simm.s32 @p1 $0x1  }
0x15: {  	[smem:$0x3FB9] =	sst s0;
	s0 =	simm.s32 @!p2 $0x0  }
0x16: {  	s3 =	sld [smem:$0x3FDB];
	s0 =	simm.s32 @p2 $0x1  }
0x17: {  	s4 =	simm.s32 $0x1BF5;
	[smem:$0x3FBB] =	sst s0  }
0x18: {  	s0 =	sld [smem:$0x3F9E];
	_ =	swait.ge [sflag:s4], $0x0  }
0x19: {  	s7 =	sld [smem:$0x3F9F]  }
0x1a: {  	s8 =	sadd.s32 $0xFFFFE003, lr  }
0x1b: {  	s9 =	sadd.s32 $0xFFFFFEF7, lr;
	s5 =	simm.s32 $0xFFFFFFFF;
	p2 =	slt.u32 s8, $0xFFFFF086  }
0x1c: {  	p1 =	slt.u32 s9, $0xF7A;
	s5 =	simm.s32 @!p2 $0x0  }
0x1d: {  	s5 =	simm.s32 @p1 $0x1;
	p0 =	seq.s32 s7, s2  }
0x1e: {  	s7 =	smul.u32 @!p0 $0xF7A, s2;
	p2 =	seq.s32 @!p0 s5, $0x0  }
0x1f: {  	s9 =	smul.u32 $0xF7A, s1;
	s8 =	simm.s32 @!p0 $0x1BF5;
	p2 =	por !p2, p0  }
0x20: {  	[sflag:s8] =	ssyncset.s32 @!p0 $0xFFFFF086;
	s6 =	sadd.s32 @!p0 s3, s7;
	s7 =	simm.s32 @!p0 $0x108  }
0x21: {  	s3 =	sadd.s32 s3, s9;
	s6 =	sadd.s32 @!p0 $0x88, s6;
	s7 =	simm.s32 @p2 $0x1082  }
0x22: {  	[simem:s7], [sflag:s8] =	dma.local @!p0 [hbm:s6], $0xF7A  }
0x23: {  	s9 =	sor.u32 $0xD0000000, s2;
	s6 =	simm.s32 $0x108;
	_ =	swait.ge @!p0 [sflag:s8], $0x0  }
0x24: {  	s3 =	sadd.s32 $0x88, s3;
	s6 =	simm.s32 @!p1 $0x1082;
	[sflag:s4] =	ssyncset.s32 $0xFFFFF086  }
0x25: {  	[simem:s6], [sflag:s4] =	dma.local [hbm:s3], $0xF7A  }
0x26: {  	[smem:$0x3F9F] =	sst s1;
	(tag) =	ssettag s2;
	_ =	strace s9  }
0x27: {  	s1 =	sld [smem:$0x3FAF]  }
0x28: {  	s2 =	sld [smem:$0x3FB0]  }
0x29: {  	s4 =	sld [smem:$0x3FB2]  }
0x2a: {  	p0 =	seq.s32 s5, $0x0;
	s5 =	sld [smem:$0x3FB3]  }
0x2b: {  	s6 =	sld [smem:$0x3FB4]  }
0x2c: {  	s7 =	sld [smem:$0x3FB5]  }
0x2d: {  	s3 =	simm.s32 $0x108;
	s8 =	sld [smem:$0x3FB6]  }
0x2e: {  	s3 =	simm.s32 @!p0 $0x1082;
	s9 =	sld [smem:$0x3FB7]  }
0x2f: {  	lr =	sadd.s32 s0, s3;
	s0 =	sld [smem:$0x3FAE]  }
0x30: {  	s3 =	sld [smem:$0x3FB1]  }
0x31: {  	[smem:$0x3FBA] =	sst s10  }
0x32: {  	s10 =	sld [smem:$0x3FB8];
	_ =	sdelay $0x3  }
0x33: {  	p0 =	seq.s32 s10, $0x1;
	s10 =	sld [smem:$0x3FBA];
	_ =	sdelay $0x3  }
0x34: {  	[smem:$0x3FBA] =	sst s10  }
0x35: {  	s10 =	sld [smem:$0x3FB9];
	_ =	sdelay $0x3  }
0x36: {  	p1 =	seq.s32 s10, $0x1;
	s10 =	sld [smem:$0x3FBA];
	_ =	sdelay $0x3  }
0x37: {  	[smem:$0x3FBA] =	sst s10  }
0x38: {  	s10 =	sld [smem:$0x3FBB]  }
0x39: {  	_ = 	snop;
	(pc) =	sbr.ind lr, $3  }
0x3a: {  	_ = 	snop  }
0x3b: {  	_ = 	snop  }
0x3c: {  	p2 =	seq.s32 s10, $0x1;
	s10 =	sld [smem:$0x3FBA]  }
0x3d: {  	_ =	shalt  }
0x3e: {  	_ =	shalt  }
0x3f: {  	_ =	shalt  }
0x40: {  	_ =	shalt  }
0x41: {  	_ =	shalt  }
0x42: {  	_ =	shalt  }
0x43: {  	_ =	shalt  }
0x44: {  	_ =	shalt  }
0x45: {  	_ =	shalt  }
0x46: {  	_ =	shalt  }
0x47: {  	_ =	shalt  }
0x48: {  	_ =	shalt  }
0x49: {  	_ =	shalt  }
0x4a: {  	_ =	shalt  }
0x4b: {  	_ =	shalt  }
0x4c: {  	_ =	shalt  }
0x4d: {  	_ =	shalt  }
0x4e: {  	_ =	shalt  }
0x4f: {  	_ =	shalt  }
0x50: {  	_ =	shalt  }
0x51: {  	_ =	shalt  }
0x52: {  	_ =	shalt  }
0x53: {  	_ =	shalt  }
0x54: {  	_ =	shalt  }
0x55: {  	_ =	shalt  }
0x56: {  	_ =	shalt  }
0x57: {  	_ =	shalt  }
0x58: {  	_ =	shalt  }
0x59: {  	_ =	shalt  }
0x5a: {  	_ =	shalt  }
0x5b: {  	_ =	shalt  }
0x5c: {  	_ =	shalt  }
0x5d: {  	_ =	shalt  }
0x5e: {  	_ =	shalt  }
0x5f: {  	_ =	shalt  }
0x60: {  	_ =	shalt  }
0x61: {  	_ =	shalt  }
0x62: {  	_ =	shalt  }
0x63: {  	_ =	shalt  }
0x64: {  	_ =	shalt  }
0x65: {  	_ =	shalt  }
0x66: {  	_ =	shalt  }
0x67: {  	_ =	shalt  }
0x68: {  	_ =	shalt  }
0x69: {  	_ =	shalt  }
0x6a: {  	_ =	shalt  }
0x6b: {  	_ =	shalt  }
0x6c: {  	_ =	shalt  }
0x6d: {  	_ =	shalt  }
0x6e: {  	_ =	shalt  }
0x6f: {  	_ =	shalt  }
0x70: {  	_ =	shalt  }
0x71: {  	_ =	shalt  }
0x72: {  	_ =	shalt  }
0x73: {  	_ =	shalt  }
0x74: {  	_ =	shalt  }
0x75: {  	_ =	shalt  }
0x76: {  	_ =	shalt  }
0x77: {  	_ =	shalt  }
0x78: {  	_ =	shalt  }
0x79: {  	_ =	shalt  }
0x7a: {  	_ =	shalt  }
0x7b: {  	_ =	shalt  }
0x7c: {  	_ =	shalt  }
0x7d: {  	_ =	shalt  }
0x7e: {  	_ =	shalt  }
0x7f: {  	_ =	shalt  }
0x80: {  	_ =	shalt  }
0x81: {  	_ =	shalt  }
0x82: {  	_ =	shalt  }
0x83: {  	_ =	shalt  }
0x84: {  	_ =	shalt  }
0x85: {  	_ =	shalt  }
0x86: {  	_ =	shalt  }
0x87: {  	_ =	shalt  }
.Lfunc_end0:
.L_simem_size_0:
called_computation.1_lowered:
.L_overlay_start_0:
0x88: {  	s2 =	sld [smem:$0x3FD9]  }
0x89: {  	s3 =	sld [smem:$0x3FFE];
	_ =	sdelay $0x1  }
0x8a: {  	s1 =	srdreg.scid  }
0x8b: {  	s0 =	sand.u32 $0x1, s1  }
0x8c: {  	s17 =	sshll.u32 s0, $0xA;
	s2 =	sadd.s32 s3, s2  }
0x8d: {  	s2 =	sadd.s32 s2, s17  }
0x8e: {  	[smem:$0x3FC6] =	sst s2  }
0x8f: {  	_ = 	snop  }
0x90: {  	s2 =	sld [smem:$0x3FD0];
	(tm) =	ssettm $0x1  }
0x91: {  	s18 =	sld [smem:$0x3FFB];
	_ =	sdelay $0x3  }
0x92: {  	_ =	strace s18  }
0x93: {  	s3 =	sld [smem:$0x3FFC];
	_ =	sdelay $0x3  }
0x94: {  	_ =	strace s3  }
0x95: {  	s3 =	sld [smem:$0x3FFD];
	_ =	sdelay $0x3  }
0x96: {  	_ =	strace s3  }
0x97: {  	_ =	strace $0x8FFFFFFF  }
0x98: {  	s19 =	sld [smem:$0x3FDB];
	_ =	sdelay $0x1  }
0x99: {  	s4 =	simm.s32 $_scs_section_size  }
0x9a: {  	s5 =	simm.s32 $_size__tile_overlayer_lowered;
	s6 =	simm.s32 $_tile_overlayer_lowered  }
0x9b: {  	s22 =	simm.s32 $0x1BFF;
	s21 =	sshll.u32 s6, $0x1;
	s3 =	sadd.s32 s4, s19  }
0x9c: {  	s7 =	simm.s32 $0x0;
	s20 =	sshll.u32 s5, $0x1;
	s5 =	sadd.s32 s21, s3  }
0x9d: {  	[timem:s7], [sflag:s22] =	dma.local [hbm:s5], s20  }
0x9e: {  	_ =	swait.ge [sflag:s22], s20  }
0x9f: {  	s4 =	ssub.s32 $0x0, s20;
	[sflag:s22] =	ssyncset.done $0x0  }
0xa0: {  	[sflag:s22] =	ssyncadd.s32 s4;
	_ =	sdelay $0x1  }
0xa1: {  	s23 =	simm.s32 $0x1B8B  }
0xa2: {  	_ =	swait.ge [sflag:s23], $0x1  }
0xa3: {  	[sflag:s23] =	ssyncset.done $0x0  }
0xa4: {  	s25 =	simm.s32 $0x1B8E;
	s24 =	sld [smem:$0x3FFE];
	[sflag:s23] =	ssyncadd.s32 $0xFFFFFFFF  }
0xa5: {  	s26 =	simm.s32 $execute0_lowered;
	[smem:$0x3FD2] =	sst s25  }
0xa6: {  	s5 =	sshll.u32 s26, $0x1;
	_ =	strace $0x80000046;
	[dreg:$0x1] =	wrdreg $0xFFFFFFFF  }
0xa7: {  	s28 =	simm.s32 $_size_execute0_lowered;
	s3 =	sadd.s32 s3, s5;
	[dreg:$0x0] =	wrdreg $0x0  }
0xa8: {  	s5 =	sshll.u32 s28, $0x1;
	[dreg:$0x2] =	wrdreg s3  }
0xa9: {  	[dreg:$0x3] =	wrdreg s5  }
0xaa: {  	[dreg:$0x4] =	wrdreg $0xC0  }
0xab: {  	_ =	task [dreg:s7], $0x5FFFF  }
0xac: {  	[dreg:$0x1] =	wrdreg $0xFFFFFFFF  }
0xad: {  	[dreg:$0x0] =	wrdreg $0x60  }
0xae: {  	[dreg:$0x2] =	wrdreg s24  }
0xaf: {  	[dreg:$0x3] =	wrdreg s2  }
0xb0: {  	[dreg:$0x4] =	wrdreg $0x64000  }
0xb1: {  	[dreg:$0x5] =	wrdreg $0x9  }
0xb2: {  	_ =	task.clear_ibuf [dreg:s7], $0x6FFFF;
	_ =	strace $0x90000046  }
0xb3: {  	s29 =	simm.s32 $0x9;
	_ =	strace $0x80000048  }
0xb4: {  	_ =	swait.ge [sflag:s29], $0x1  }
0xb5: {  	[sflag:s29] =	ssyncadd.s32 $0xFFFFFFFF  }
0xb6: {  	_ =	strace $0x90000048  }
0xb7: {  	_ =	sfence  }
0xb8: {  	s30 =	sld [smem:$0x0];
	_ =	sdelay $0x2  }
0xb9: {  	s31 =	sshll.u32 s1, $0xD;
	s1 =	sshrl.u32 s1, $0x2  }
0xba: {  	s3 =	sand.u32 $0x4000, s31;
	s1 =	sadd.s32 s1, s30  }
0xbb: {  	s0 =	sor.u32 s3, s0;
	s1 =	sshll.u32 s1, $0x11  }
0xbc: {  	s0 =	sor.u32 s1, s0  }
0xbd: {  	s0 =	sadd.s32 $0x8F2B, s0  }
0xbe: {  	[sflag:s0] =	ssyncadd.remote.s32 $0x1  }
0xbf: {  	_ =	sfence.sel $0xFFFF  }
0xc0: {  	[dreg:$0x0] =	wrdreg $0xFFFFFFFF;
	(pc) =	sbr.abs _section_cstart, $3  }
0xc1: {  	[dreg:$0x1] =	wrdreg $0xFFFFFFFF  }
0xc2: {  	_ =	task.clear_ibuf [dreg:s7], $0x2FFFF;
	_ =	strace $0x9FFFFFFF  }
0xc3: {  	(tm) =	ssettm $0x7FFFFFFF  }
tec
execute0_lowered:
.L_overlay_start_1:
0x0: {  	(tag) =	ssettag $0x1  }
0x1: {  	s0 =	rddreg [dreg:$0x0];
	s1 =	srdreg.scid  }
0x2: {  	s11 =	stileid.u32;
	s4 =	rddreg [dreg:$0x1]  }
0x3: {  	s5 =	rddreg [dreg:$0x2];
	s15 =	simm.s32 $0x8;
	s16 =	simm.s32 $0x320  }
0x4: {  	s17 =	simm.s32 $0x190;
	s18 =	simm.s32 $0x12C00;
	s19 =	simm.s32 $0x19000  }
0x5: {  	s20 =	simm.s32 $0x7;
	s21 =	simm.s32 $0x1;
	s7 =	smul.u32 $0x32000, s11  }
0x6: {  	s1 =	sand.u32 $0x1, s1;
	s2 =	sshll.u32 s11, $0x1;
	s11 =	smul.u32 $0xC800, s11  }
0x7: {  	s3 =	sor.u32 s1, s2;
	s9 =	ssub.s32 $0x2, s1;
	s1 =	smul.u32 $0x6400, s1  }
0x8: {  	s22 =	simm.s32 $0x3;
	s23 =	simm.s32 $0x2;
	s6 =	smul.u32 $0x6400, s3  }
0x9: {  	s28 =	simm.s32 $0x6;
	s2 =	simm.s32 $0x0;
	s8 =	smul.u32 $0x32000, s3  }
0xa: {  	s29 =	simm.s32 $0x0;
	[smem:$0x7FF] =	sst s2;
	s10 =	smul.u32 $0x190000, s3  }
0xb: {  	s3 =	sadd.s32 $0xF42E00, s0;
	s24 =	sshrl.u32 s9, $0x1;
	s7 =	sshrl.u32 s7, $0x2  }
0xc: {  	_ =	strace $0x80000047;
	s1 =	sadd.s32 s1, s11;
	s6 =	sshrl.u32 s6, $0x3  }
0xd: {  	s26 =	sadd.s32 s4, s8;
	s30 =	sshrl.u32 s10, $0x3;
	s1 =	sshll.u32 s1, $0x3  }
0xe: {  	s6 =	sadd.s32 s6, s0;
	s0 =	ssub.s32 s9, s24;
	[dreg:$0x6] =	wrdreg s26  }
0xf: {  	s1 =	sadd.s32 s1, s4;
	s24 =	simm.s32 $0x4;
	s25 =	sadd.s32 $0xA00, s6  }
0x10: {  	s6 =	sadd.s32 $0xA64, s6;
	s12 =	smax.u32 s0, $0x1;
	[dreg:$0x4] =	wrdreg s25  }
0x11: {  	s13 =	sadd.s32 $0x2580, s1;
	s14 =	sadd.s32 $0x1900, s1;
	[dreg:$0x5] =	wrdreg s6  }
0x12: {  	s6 =	sadd.s32 s7, s5;
	s5 =	sadd.s32 s4, s30;
	s7 =	sadd.s32 $0xC80, s26  }
0x13: {  	s26 =	simm.s32 $0x5;
	[dreg:$0x7] =	wrdreg s7;
	s31 =	sadd.s32 $0x30700, s5  }
0x14: {  	s8 =	sadd.s32 $0x6400, s6;
	s11 =	sadd.s32 $0x31380, s5;
	[dreg:$0x8] =	wrdreg s31  }
.LBB2_1:
0x15: {  	s0 =	rddreg [dreg:$0x4]  }
0x16: {  	[tilespmem:s2], [sflag:$0x8] =	stream.linear.gather [hbm4b:s0+s2], $0x320, $0x38;
	[tilespmem:$0x1F400] =	vst v63  }
0x17: {  	_ =	swait.ge [sflag:s15], $0x320  }
0x18: {  	[sflag:s15] =	ssyncset.done $0x0  }
0x19: {  	s4 =	rddreg [dreg:$0x5];
	[sflag:s15] =	ssyncadd.s32 $0xFFFFFCE0  }
0x1a: {  	[tilespmem:s16], [sflag:$0x7] =	stream.linear.gather [hbm4b:s4+s2], $0x60E0, $0x38;
	[tilespmem:$0x1F400] =	vst v63  }
0x1b: {  	_ = 	snop  }
0x1c: {  	[tilespmem:s18], [sflag:$0x1] =	stream.indirect.gather [hbm4b:s3+s17], $0x40, s2, s17, $0xb8;
	[tilespmem:$0x1F400] =	vst v63  }
0x1d: {  	_ = 	snop  }
0x1e: {  	[tilespmem:s19], [sflag:$0x2] =	stream.indirect.gather [hbm4b:s3+s17], $0x40, s17, s17, $0xb8;
	[tilespmem:$0x1F400] =	vst v63  }
0x1f: {  	_ =	swait.ge [sflag:s20], $0x60E0  }
0x20: {  	[sflag:s20] =	ssyncset.done $0x0  }
0x21: {  	[sflag:s20] =	ssyncadd.s32 $0xFFFF9F20  }
0x22: {  	_ =	swait.ge [sflag:s21], $0x6400  }
0x23: {  	[sflag:s21] =	ssyncset.done $0x0  }
0x24: {  	[sflag:s21] =	ssyncadd.s32 $0xFFFF9C00  }
0x25: {  	[spmem:s6] =	stream.linear.scatter [tilespmem:s18], [sflag:$0x3], $0x6400, $0x38;
	[tilespmem:$0x1F400] =	vst v63  }
0x26: {  	s5 =	stileid.u32;
	_ =	swait.ge [sflag:s22], $0x6400  }
0x27: {  	s1 =	sshrl.u32 s6, $0x3;
	s0 =	sshll.u32 s5, $0x6;
	[sflag:s22] =	ssyncset.done $0x0  }
0x28: {  	s30 =	sor.u32 $0x1C05, s0;
	s4 =	rddreg [dreg:$0x6];
	[sflag:s22] =	ssyncadd.s32 $0xFFFF9C00  }
0x29: {  	[hbm:s4], [sflag:s30] =	dma.local [spmem:s1], $0xC80  }
0x2a: {  	[tilespmem:s18], [sflag:$0x1] =	stream.indirect.gather [hbm4b:s3+s17], $0x40, s16, s17, $0xb8;
	[tilespmem:$0x1F400] =	vst v63  }
0x2b: {  	_ =	swait.ge [sflag:s23], $0x6400  }
0x2c: {  	[sflag:s23] =	ssyncset.done $0x0  }
0x2d: {  	[sflag:s23] =	ssyncadd.s32 $0xFFFF9C00  }
0x2e: {  	[spmem:s8] =	stream.linear.scatter [tilespmem:s19], [sflag:$0x4], $0x6400, $0x38;
	[tilespmem:$0x1F400] =	vst v63  }
0x2f: {  	_ =	swait.ge [sflag:s24], $0x6400  }
0x30: {  	s9 =	simm.s32 $0x4B0;
	s31 =	sor.u32 $0x1C06, s0;
	[sflag:s24] =	ssyncset.done $0x0  }
0x31: {  	s0 =	sshrl.u32 s8, $0x3;
	s7 =	rddreg [dreg:$0x7];
	[sflag:s24] =	ssyncadd.s32 $0xFFFF9C00  }
0x32: {  	[hbm:s7], [sflag:s31] =	dma.local [spmem:s0], $0xC80  }
0x33: {  	[tilespmem:s19], [sflag:$0x2] =	stream.indirect.gather [hbm4b:s3+s17], $0x40, s9, s17, $0xb8;
	[tilespmem:$0x1F400] =	vst v63  }
0x34: {  	_ =	swait.ge [sflag:s21], $0x6400  }
0x35: {  	[sflag:s21] =	ssyncset.done $0x0  }
0x36: {  	[sflag:s21] =	ssyncadd.s32 $0xFFFF9C00  }
0x37: {  	_ =	swait.ge [sflag:s26], $0xC80  }
0x38: {  	[sflag:s26] =	ssyncset.done $0x0  }
0x39: {  	[sflag:s26] =	ssyncadd.s32 $0xFFFFF380  }
0x3a: {  	[spmem:s6] =	stream.linear.scatter [tilespmem:s18], [sflag:$0x3], $0x6400, $0x38;
	[tilespmem:$0x1F400] =	vst v63  }
0x3b: {  	_ =	swait.ge [sflag:s22], $0x6400  }
0x3c: {  	[sflag:s22] =	ssyncset.done $0x0  }
0x3d: {  	s10 =	sadd.s32 $0x0, s14;
	s5 =	simm.s32 $0x640;
	[sflag:s22] =	ssyncadd.s32 $0xFFFF9C00  }
0x3e: {  	[hbm:s10], [sflag:s30] =	dma.local [spmem:s1], $0xC80  }
0x3f: {  	[tilespmem:s18], [sflag:$0x1] =	stream.indirect.gather [hbm4b:s3+s17], $0x40, s5, s17, $0xb8;
	[tilespmem:$0x1F400] =	vst v63  }
0x40: {  	_ =	swait.ge [sflag:s23], $0x6400  }
0x41: {  	[sflag:s23] =	ssyncset.done $0x0  }
0x42: {  	[sflag:s23] =	ssyncadd.s32 $0xFFFF9C00  }
0x43: {  	_ =	swait.ge [sflag:s28], $0xC80  }
0x44: {  	[sflag:s28] =	ssyncset.done $0x0  }
0x45: {  	[sflag:s28] =	ssyncadd.s32 $0xFFFFF380  }
0x46: {  	[spmem:s8] =	stream.linear.scatter [tilespmem:s19], [sflag:$0x4], $0x6400, $0x38;
	[tilespmem:$0x1F400] =	vst v63  }
0x47: {  	_ =	swait.ge [sflag:s24], $0x6400  }
0x48: {  	[sflag:s24] =	ssyncset.done $0x0  }
0x49: {  	s25 =	sadd.s32 $0x0, s13;
	[sflag:s24] =	ssyncadd.s32 $0xFFFF9C00  }
0x4a: {  	[hbm:s25], [sflag:s31] =	dma.local [spmem:s0], $0xC80  }
0x4b: {  	s4 =	simm.s32 $0xAF0;
	s5 =	simm.s32 $0x7D0;
	s25 =	simm.s32 $0x1900  }
.LBB2_2:
0x4c: {  	[tilespmem:s19], [sflag:$0x2] =	stream.indirect.gather [hbm4b:s3+s17], $0x40, s5, s17, $0xb8;
	[tilespmem:$0x1F400] =	vst v63  }
0x4d: {  	p0 =	sne.s32 s25, $0x2D500;
	s9 =	smov.u32 s25;
	s25 =	sadd.s32 $0x1900, s25  }
0x4e: {  	s5 =	smov.u32 s4;
	_ =	swait.ge [sflag:s21], $0x6400  }
0x4f: {  	[sflag:s21] =	ssyncset.done $0x0  }
0x50: {  	[sflag:s21] =	ssyncadd.s32 $0xFFFF9C00  }
0x51: {  	_ =	swait.ge [sflag:s26], $0xC80  }
0x52: {  	[sflag:s26] =	ssyncset.done $0x0  }
0x53: {  	[sflag:s26] =	ssyncadd.s32 $0xFFFFF380  }
0x54: {  	[spmem:s6] =	stream.linear.scatter [tilespmem:s18], [sflag:$0x3], $0x6400, $0x38;
	[tilespmem:$0x1F400] =	vst v63  }
0x55: {  	_ =	swait.ge [sflag:s22], $0x6400  }
0x56: {  	[sflag:s22] =	ssyncset.done $0x0  }
0x57: {  	s10 =	sadd.s32 $0xFFFFFE70, s4;
	s7 =	sadd.s32 s9, s14;
	[sflag:s22] =	ssyncadd.s32 $0xFFFF9C00  }
0x58: {  	[hbm:s7], [sflag:s30] =	dma.local [spmem:s1], $0xC80  }
0x59: {  	[tilespmem:s18], [sflag:$0x1] =	stream.indirect.gather [hbm4b:s3+s17], $0x40, s10, s17, $0xb8;
	[tilespmem:$0x1F400] =	vst v63  }
0x5a: {  	_ =	swait.ge [sflag:s23], $0x6400  }
0x5b: {  	[sflag:s23] =	ssyncset.done $0x0  }
0x5c: {  	[sflag:s23] =	ssyncadd.s32 $0xFFFF9C00  }
0x5d: {  	_ =	swait.ge [sflag:s28], $0xC80  }
0x5e: {  	[sflag:s28] =	ssyncset.done $0x0  }
0x5f: {  	[sflag:s28] =	ssyncadd.s32 $0xFFFFF380  }
0x60: {  	[spmem:s8] =	stream.linear.scatter [tilespmem:s19], [sflag:$0x4], $0x6400, $0x38;
	[tilespmem:$0x1F400] =	vst v63  }
.Ltmp0:
0x61: {  	_ = 	snop;
	(pc) =	sbr.rel @p0 .LBB2_2-.Ltmp0, $4  }
0x62: {  	_ =	swait.ge [sflag:s24], $0x6400  }
0x63: {  	[sflag:s24] =	ssyncset.done $0x0  }
0x64: {  	s4 =	sadd.s32 $0x320, s4;
	s7 =	sadd.s32 s9, s13;
	[sflag:s24] =	ssyncadd.s32 $0xFFFF9C00  }
0x65: {  	[hbm:s7], [sflag:s31] =	dma.local [spmem:s0], $0xC80  }
0x66: {  	[tilespmem:s19], [sflag:$0x2] =	stream.indirect.gather [hbm4b:s3+s17], $0x40, s5, s17, $0xb8;
	[tilespmem:$0x1F400] =	vst v63  }
0x67: {  	_ =	swait.ge [sflag:s21], $0x6400  }
0x68: {  	[sflag:s21] =	ssyncset.done $0x0  }
0x69: {  	[sflag:s21] =	ssyncadd.s32 $0xFFFF9C00  }
0x6a: {  	_ =	swait.ge [sflag:s26], $0xC80  }
0x6b: {  	[sflag:s26] =	ssyncset.done $0x0  }
0x6c: {  	[sflag:s26] =	ssyncadd.s32 $0xFFFFF380  }
0x6d: {  	[spmem:s6] =	stream.linear.scatter [tilespmem:s18], [sflag:$0x3], $0x6400, $0x38;
	[tilespmem:$0x1F400] =	vst v63  }
0x6e: {  	_ =	swait.ge [sflag:s22], $0x6400  }
0x6f: {  	[sflag:s22] =	ssyncset.done $0x0  }
0x70: {  	s4 =	rddreg [dreg:$0x8];
	[sflag:s22] =	ssyncadd.s32 $0xFFFF9C00  }
0x71: {  	[hbm:s4], [sflag:s30] =	dma.local [spmem:s1], $0xC80  }
0x72: {  	_ =	swait.ge [sflag:s23], $0x6400  }
0x73: {  	[sflag:s23] =	ssyncset.done $0x0  }
0x74: {  	[sflag:s23] =	ssyncadd.s32 $0xFFFF9C00  }
0x75: {  	_ =	swait.ge [sflag:s28], $0xC80  }
0x76: {  	[sflag:s28] =	ssyncset.done $0x0  }
0x77: {  	[sflag:s28] =	ssyncadd.s32 $0xFFFFF380  }
0x78: {  	[spmem:s8] =	stream.linear.scatter [tilespmem:s19], [sflag:$0x4], $0x6400, $0x38;
	[tilespmem:$0x1F400] =	vst v63  }
0x79: {  	_ =	swait.ge [sflag:s24], $0x6400  }
0x7a: {  	[sflag:s24] =	ssyncset.done $0x0  }
0x7b: {  	s29 =	sadd.s32 $0x1, s29;
	[sflag:s24] =	ssyncadd.s32 $0xFFFF9C00  }
0x7c: {  	[hbm:s11], [sflag:s31] =	dma.local [spmem:s0], $0xC80  }
0x7d: {  	p0 =	sne.s32 s29, s12;
	_ =	swait.ge [sflag:s26], $0xC80  }
.Ltmp1:
0x7e: {  	[sflag:s26] =	ssyncset.done $0x0;
	(pc) =	sbr.rel @p0 .LBB2_1-.Ltmp1, $4  }
0x7f: {  	[sflag:s26] =	ssyncadd.s32 $0xFFFFF380  }
0x80: {  	_ =	swait.ge [sflag:s28], $0xC80  }
0x81: {  	[sflag:s28] =	ssyncset.done $0x0  }
0x82: {  	[sflag:s28] =	ssyncadd.s32 $0xFFFFF380  }
0x83: {  	_ =	sfence.sel $0x180000  }
0x84: {  	[bflag:$0x0] =	sbarrier.arrive $0xFFFF  }
0x85: {  	_ =	strace $0x90000047  }
0x86: {  	s0 =	stileid.u32;
	[bflag:$0x2] =	sbarrier.arrive $0xFFFF  }
0x87: {  	p0 =	sne.s32 s0, $0x0;
	s0 =	rddreg [dreg:$0x3]  }
0x88: {  	s0 =	sadd.s32 @!p0 $0x100000, s0  }
0x89: {  	[sflag:s0] =	ssyncadd.tile.s32 @!p0 $0x1;
	_ =	shalt  }
.Lfunc_end2:
_tile_overlayer_lowered:
.L_overlay_start_2:
0x8a: {  	(tag) =	ssettag $0x2  }
0x8b: {  	s0 =	rddreg [dreg:$0x0];
	s2 =	stileid.u32  }
0x8c: {  	s1 =	rddreg [dreg:$0x1];
	p0 =	sne.s32 s2, $0x0  }
0x8d: {  	s3 =	rddreg [dreg:$0x2];
	[bflag:$0x3] =	sbarrier.arrive $0xFFFF;
	s2 =	simm.s32 @!p0 $0x1C08  }
0x8e: {  	[timem:s3], [sflag:s2] =	dma.local @!p0 [hbm:s0], s1  }
0x8f: {  	s0 =	simm.s32 @!p0 $0x8  }
0x90: {  	_ =	swait.ge @!p0 [sflag:s0], s1  }
0x91: {  	s1 =	ssub.s32 @!p0 $0x0, s1;
	[sflag:s0] =	ssyncset.done @!p0 $0x0  }
0x92: {  	[sflag:s0] =	ssyncadd.s32 @!p0 s1  }
0x93: {  	[bflag:$0x3] =	sbarrier.arrive $0xFFFF  }
0x94: {  	_ =	shalt  }

// kernel: sparse-core-data-format-call.cloned.1.call-start
scs
called_computation_lowered:
.L_overlay_start_0:
0x0: {  	s2 =	sld [smem:$0x3FD9]  }
0x1: {  	s3 =	sld [smem:$0x3FFE];
	_ =	sdelay $0x1  }
0x2: {  	s1 =	srdreg.scid  }
0x3: {  	s0 =	sand.u32 $0x1, s1  }
0x4: {  	s18 =	sshll.u32 s0, $0xA;
	s2 =	sadd.s32 s3, s2  }
0x5: {  	s2 =	sadd.s32 s2, s18  }
0x6: {  	[smem:$0x3FC6] =	sst s2  }
0x7: {  	_ = 	snop  }
0x8: {  	s2 =	sld [smem:$0x3FD0];
	(tm) =	ssettm $0x1  }
0x9: {  	s19 =	sld [smem:$0x3FFB];
	_ =	sdelay $0x3  }
0xa: {  	_ =	strace s19  }
0xb: {  	s3 =	sld [smem:$0x3FFC];
	_ =	sdelay $0x3  }
0xc: {  	_ =	strace s3  }
0xd: {  	s3 =	sld [smem:$0x3FFD];
	_ =	sdelay $0x3  }
0xe: {  	_ =	strace s3  }
0xf: {  	_ =	strace $0x8FFFFFFF  }
0x10: {  	s20 =	sld [smem:$0x3FDB];
	_ =	sdelay $0x1  }
0x11: {  	s4 =	simm.s32 $_scs_section_size  }
0x12: {  	s5 =	simm.s32 $_size__tile_overlayer_lowered;
	s6 =	simm.s32 $_tile_overlayer_lowered  }
0x13: {  	s23 =	simm.s32 $0x1BFF;
	s22 =	sshll.u32 s6, $0x1;
	s3 =	sadd.s32 s4, s20  }
0x14: {  	s7 =	simm.s32 $0x0;
	s21 =	sshll.u32 s5, $0x1;
	s5 =	sadd.s32 s22, s3  }
0x15: {  	[timem:s7], [sflag:s23] =	dma.local [hbm:s5], s21  }
0x16: {  	_ =	swait.ge [sflag:s23], s21  }
0x17: {  	s4 =	ssub.s32 $0x0, s21;
	[sflag:s23] =	ssyncset.done $0x0  }
0x18: {  	[sflag:s23] =	ssyncadd.s32 s4;
	_ =	sdelay $0x1  }
0x19: {  	s24 =	simm.s32 $0x1B8B  }
0x1a: {  	_ =	swait.ge [sflag:s24], $0x1  }
0x1b: {  	[sflag:s24] =	ssyncset.done $0x0  }
0x1c: {  	s26 =	simm.s32 $0x1B8E;
	s25 =	sld [smem:$0x3FFE];
	[sflag:s24] =	ssyncadd.s32 $0xFFFFFFFF  }
0x1d: {  	s27 =	simm.s32 $execute0_lowered;
	[smem:$0x3FD2] =	sst s26  }
0x1e: {  	s5 =	sshll.u32 s27, $0x1;
	_ =	strace $0x80000049;
	[dreg:$0x1] =	wrdreg $0xFFFFFFFF  }
0x1f: {  	s28 =	simm.s32 $_size_execute0_lowered;
	s3 =	sadd.s32 s3, s5;
	[dreg:$0x0] =	wrdreg $0x0  }
0x20: {  	s5 =	sshll.u32 s28, $0x1;
	[dreg:$0x2] =	wrdreg s3  }
0x21: {  	[dreg:$0x3] =	wrdreg s5  }
0x22: {  	[dreg:$0x4] =	wrdreg $0xC0  }
0x23: {  	_ =	task [dreg:s7], $0x5FFFF  }
0x24: {  	[dreg:$0x1] =	wrdreg $0xFFFFFFFF  }
0x25: {  	[dreg:$0x0] =	wrdreg $0x60  }
0x26: {  	[dreg:$0x2] =	wrdreg s25  }
0x27: {  	[dreg:$0x3] =	wrdreg s2  }
0x28: {  	[dreg:$0x4] =	wrdreg $0x9  }
0x29: {  	_ =	task.clear_ibuf [dreg:s7], $0x5FFFF;
	_ =	strace $0x90000049  }
0x2a: {  	s29 =	simm.s32 $0x9;
	_ =	strace $0x8000004B  }
0x2b: {  	_ =	swait.ge [sflag:s29], $0x1  }
0x2c: {  	[sflag:s29] =	ssyncadd.s32 $0xFFFFFFFF  }
0x2d: {  	_ =	strace $0x9000004B  }
0x2e: {  	_ =	sfence  }
0x2f: {  	s30 =	sld [smem:$0x0];
	_ =	sdelay $0x2  }
0x30: {  	s31 =	sshll.u32 s1, $0xD;
	s1 =	sshrl.u32 s1, $0x2  }
0x31: {  	s3 =	sand.u32 $0x4000, s31;
	s1 =	sadd.s32 s1, s30  }
0x32: {  	s0 =	sor.u32 s3, s0;
	s1 =	sshll.u32 s1, $0x11  }
0x33: {  	s0 =	sor.u32 s1, s0  }
0x34: {  	s0 =	sadd.s32 $0x8F2B, s0  }
0x35: {  	[sflag:s0] =	ssyncadd.remote.s32 $0x1  }
0x36: {  	_ =	sfence.sel $0xFFFF  }
0x37: {  	[dreg:$0x0] =	wrdreg $0xFFFFFFFF;
	(pc) =	sbr.abs _section_cstart, $3  }
0x38: {  	[dreg:$0x1] =	wrdreg $0xFFFFFFFF  }
0x39: {  	_ =	task.clear_ibuf [dreg:s7], $0x2FFFF;
	_ =	strace $0x9FFFFFFF  }
0x3a: {  	(tm) =	ssettm $0x7FFFFFFF  }
0x3b: {  	_ =	shalt  }
tec
execute0_lowered:
.L_overlay_start_1:
0x0: {  	(tag) =	ssettag $0x1  }
0x1: {  	s0 =	srdreg.scid  }
0x2: {  	s1 =	sshll.u32 s0, $0x4  }
0x3: {  	s0 =	stileid.u32;
	s1 =	sand.u32 $0x10, s1  }
0x4: {  	s1 =	sor.u32 s0, s1  }
0x5: {  	s6 =	rddreg [dreg:$0x0];
	s4 =	simm.s32 $0x1;
	s2 =	sshll.u32 s1, $0x7  }
0x6: {  	s7 =	simm.s32 $0x2;
	s12 =	simm.s32 $0x0;
	s1 =	ssub.s32 $0x4000, s2  }
0x7: {  	s8 =	simm.s32 $0x20000;
	s13 =	simm.s32 $0x0;
	s3 =	sand.u32 $0xF80, s1  }
0x8: {  	s9 =	simm.s32 $0x0;
	s5 =	sshrl.u32 s1, $0xC;
	p0 =	sne.s32 s3, $0x0  }
.Ltmp0:
0x9: {  	s1 =	rddreg [dreg:$0x2];
	s4 =	simm.s32 @!p0 $0x0;
	(pc) =	sbr.rel .LBB1_1-.Ltmp0, $4  }
0xa: {  	s11 =	simm.s32 $0x0;
	s3 =	rddreg [dreg:$0x1];
	s5 =	sadd.s32 s4, s5  }
0xb: {  	_ =	strace $0x8000004A;
	s4 =	simm.s32 $0x1;
	s5 =	smul.u32 $0x32, s5  }
0xc: {  	s6 =	sadd.s32 $0xA00, s6;
	s10 =	smov.u32 s2;
	[sflag:s4] =	ssyncpa.u1 $0x0  }
0xd: {  	p0 =	por $0x0, $0x0;
	[sflag:s7] =	ssyncpa.u1 $0x0;
	s7 =	sor.u32 $0x1, s5  }
.LBB1_4:
0xe: {  	s16 =	sshll.u32 s13, $0x3;
	s17 =	sand.u32 $0x78, s13  }
0xf: {  	s30 =	sand.u32 $0x1F800, s13;
	s12 =	sshll.u32 s12, $0x11;
	s16 =	sand.u32 $0x3C00, s16  }
0x10: {  	[tilespmem:s15+$0x810 ss:$0x81] =	vst.msk $0xffff, v2;
	s31 =	sand.u32 $0x7, s13;
	s16 =	sor.u32 s17, s16;
	s17 =	sadd.s32 s3, s30  }
0x11: {  	[tilespmem:s15+$0x1020 ss:$0x81] =	vst.msk $0xffff, v0;
	s13 =	sshll.u32 s31, $0x12;
	s12 =	sadd.s32 s12, s17;
	s16 =	sshrl.u32 s16, $0x3  }
0x12: {  	[tilespmem:s15+$0x0 ss:$0x81] =	vst.msk $0xffff, v1;
	s13 =	sor.u32 $0x400, s13;
	s12 =	sadd.s32 s16, s12  }
0x13: {  	[hbm4b:s12+s13] =	stream.strided.scatter [tilespmem:s14], [sflag:$0x2], $0x2000, s8, s13, $0x20;
	[tilespmem:$0x8080] =	vst v63  }
.LBB1_5:
0x14: {  	s14 =	sadd.s32 $0x1, s9  }
0x15: {  	s12 =	sadd.s32 $0x1000, s10;
	s16 =	smov.u32 s10;
	p2 =	sgt.s32 s14, $0x31  }
0x16: {  	s16 =	smov.u32 @p2 s12  }
0x17: {  	s14 =	simm.s32 @p2 $0x0;
	p2 =	sgt.s32 s16, $0x3FFF  }
0x18: {  	s16 =	smov.u32 @p2 s2;
	p2 =	sne.s32 s11, s7  }
.Ltmp1:
0x19: {  	p1 =	slt.u32 s11, $0x2;
	(pc) =	sbr.rel @!p2 .LBB1_6-.Ltmp1, $4  }
0x1a: {  	s15 =	simm.s32 @!p1 $0x2  }
0x1b: {  	s13 =	smov.u32 s10;
	p0 =	por !p0, !p0;
	_ =	swait.ge @!p1 [sflag:s15], $0x2000  }
0x1c: {  	s12 =	smov.u32 s9;
	[sflag:s15] =	ssyncset.done @!p1 $0x0;
	s9 =	smov.u32 s14  }
0x1d: {  	s11 =	sadd.s32 $0x1, s11;
	[sflag:s15] =	ssyncadd.s32 @!p1 $0xFFFFE000;
	s10 =	smov.u32 s16  }
.LBB1_1:
0x1e: {  	p1 =	sge.u32 s11, s5  }
0x1f: {  	s14 =	sand.u32 @!p1 $0x1FFFFFF, s9  }
0x20: {  	s15 =	smulhi.u32 @!p1 $0x4924925, s14;
	_ =	sdelay $0x1  }
0x21: {  	s15 =	smul.u32 @!p1 $0x38, s15  }
0x22: {  	s16 =	sxor.u32 @!p1 $0xFFFFFFFF, s11;
	s17 =	smul.u32 @!p1 $0x380, s10  }
0x23: {  	s31 =	sadd.s32 $0xFFFFFFFF, s11;
	s16 =	sshll.u32 @!p1 s16, $0xD;
	s14 =	ssub.s32 @!p1 s14, s15  }
0x24: {  	s15 =	sand.u32 @!p1 $0x2000, s16;
	s16 =	sadd.s32 @!p1 s6, s17;
	s14 =	sshll.u32 @!p1 s14, $0x4  }
0x25: {  	s17 =	simm.s32 @!p1 $0x1C00;
	s14 =	sadd.s32 @!p1 s14, s16;
	s16 =	simm.s32 @!p1 $0x40  }
0x26: {  	[tilespmem:s15], [sflag:$0x1] =	stream.strided.gather @!p1 [hbm4b:s14+s16], $0x2000, s17, s16, $0x38;
	[tilespmem:$0x8080] =	vst v63  }
0x27: {  	p1 =	sge.u32 s31, s5  }
.Ltmp2:
0x28: {  	_ = 	snop;
	(pc) =	sbr.rel @p1 .LBB1_5-.Ltmp2, $1  }
0x29: {  	_ =	sdelay $0x3  }
0x2a: {  	s14 =	simm.s32 $0x1  }
0x2b: {  	_ =	swait.ge [sflag:s4], $0x2000;
	s14 =	simm.s32 @!p0 $0x0  }
0x2c: {  	[sflag:s4] =	ssyncset.done $0x0;
	s15 =	sshll.u32 s14, $0xD  }
0x2d: {  	[sflag:s4] =	ssyncadd.s32 $0xFFFFE000;
	s18 =	sor.u32 $0x20, s15  }
0x2e: {  	s14 =	smul.u32 $0x8100, s14;
	v3 =	vld [tilespmem:s18+$0x10]  }
0x2f: {  	s30 =	sand.u32 $0x1, s11;
	v2 =	vld [tilespmem:s18+$0xFFFFFFF0]  }
0x30: {  	s15 =	smul.u32 $0x8100, s30;
	s14 =	sshrl.u32 s14, $0x2;
	v0 =	vld [tilespmem:s18+$0x0]  }
0x31: {  	v1 =	vld [tilespmem:s18+$0xFFFFFFE0];
	s16 =	sor.u32 $0x4000, s14  }
0x32: {  	s31 =	sshrl.u32 s15, $0x2;
	s15 =	sadd.s32 $0x0, s16  }
0x33: {  	s17 =	simm.s32 $0x4;
	s18 =	sadd.s32 $0x40, s18;
	s14 =	sor.u32 $0x4000, s31;
	[tilespmem:s15+$0x1830 ss:$0x81] =	vst.msk $0xffff, v3  }
.LBB1_3:
0x34: {  	v3 =	vld [tilespmem:s18+$0x10];
	p1 =	sne.s32 s17, $0x1FC;
	[tilespmem:s15+$0x810 ss:$0x81] =	vst.msk $0xffff, v2;
	s19 =	smov.u32 s17;
	s17 =	sadd.s32 $0x4, s17  }
.Ltmp3:
0x35: {  	v2 =	vld [tilespmem:s18+$0xFFFFFFF0];
	[tilespmem:s15+$0x1020 ss:$0x81] =	vst.msk $0xffff, v0;
	(pc) =	sbr.rel @p1 .LBB1_3-.Ltmp3, $4  }
0x36: {  	v0 =	vld [tilespmem:s18+$0x0];
	[tilespmem:s15+$0x0 ss:$0x81] =	vst.msk $0xffff, v1  }
0x37: {  	s15 =	sshra.s32 s19, $0x2;
	v1 =	vld [tilespmem:s18+$0xFFFFFFE0]  }
0x38: {  	s15 =	sadd.s32 s15, s16  }
0x39: {  	s18 =	sadd.s32 $0x40, s18;
	[tilespmem:s15+$0x1830 ss:$0x81] =	vst.msk $0xffff, v3  }
.Ltmp4:
0x3a: {  	_ = 	snop;
	(pc) =	sbr.rel .LBB1_4-.Ltmp4, $1  }
0x3b: {  	_ =	sdelay $0x3  }
.LBB1_6:
0x3c: {  	_ =	sfence.sel $0x180000  }
0x3d: {  	s2 =	simm.s32 $0x1;
	[bflag:$0x0] =	sbarrier.arrive $0xFFFF  }
0x3e: {  	s31 =	simm.s32 $0x2;
	[sflag:s2] =	ssyncpa.u1 $0x1  }
0x3f: {  	[sflag:s31] =	ssyncpa.u1 $0x1  }
0x40: {  	p0 =	sne.s32 s0, $0x0;
	_ =	strace $0x9000004A  }
0x41: {  	s0 =	sadd.s32 @!p0 $0x100000, s1;
	[bflag:$0x2] =	sbarrier.arrive $0xFFFF  }
0x42: {  	[sflag:s0] =	ssyncadd.tile.s32 @!p0 $0x1;
	_ =	shalt  }
.Lfunc_end1:
_tile_overlayer_lowered:
.L_overlay_start_2:
0x43: {  	(tag) =	ssettag $0x2  }
0x44: {  	s0 =	rddreg [dreg:$0x0];
	s2 =	stileid.u32  }
0x45: {  	s1 =	rddreg [dreg:$0x1];
	p0 =	sne.s32 s2, $0x0  }
0x46: {  	s3 =	rddreg [dreg:$0x2];
	[bflag:$0x3] =	sbarrier.arrive $0xFFFF;
	s2 =	simm.s32 @!p0 $0x1C01  }
0x47: {  	[timem:s3], [sflag:s2] =	dma.local @!p0 [hbm:s0], s1  }
0x48: {  	s0 =	simm.s32 @!p0 $0x1  }
0x49: {  	_ =	swait.ge @!p0 [sflag:s0], s1  }
0x4a: {  	s1 =	ssub.s32 @!p0 $0x0, s1;
	[sflag:s0] =	ssyncset.done @!p0 $0x0  }
0x4b: {  	[sflag:s0] =	ssyncadd.s32 @!p0 s1  }
0x4c: {  	[bflag:$0x3] =	sbarrier.arrive $0xFFFF  }
0x4d: {  	_ =	shalt  }

</sc_bundles>
